<compile_context>
chip_gen: v7x
topology: tpu7x:2x2x1
jax: 0.10.2.dev20260603
libtpu: 0.0.44.dev20260713+nightly
codegen_flags: <defaults>
</compile_context>

<pallas_src>
import functools

import jax
import jax.numpy as jnp
from jax import lax
from jax.experimental import pallas as pl
from jax.experimental.pallas import tpu as pltpu
from jax.experimental.pallas import tpu_sc as plsc

_LS = 0.1
_BLK_W = 2048
_SC_BLOCKS = 16
_SC_CHUNK = 32


def _sc_info():
    try:
        info = plsc.get_sparse_core_info()
        return info.num_cores, info.num_subcores
    except Exception:
        return 2, 16


def _tc_body(c_total, blk_off, label_ref, predt_ref, s_out, m_out, g_out,
             z_out, s_acc, m_acc, g_acc, z_acc):
    j = pl.program_id(0)
    nblk = pl.num_programs(0)
    blk_w, blk_b = predt_ref.shape

    @pl.when(j == 0)
    def _init():
        s_acc[...] = jnp.zeros_like(s_acc)
        m_acc[...] = jnp.full_like(m_acc, -jnp.inf)
        g_acc[...] = jnp.zeros_like(g_acc)
        z_acc[...] = jnp.zeros_like(z_acc)

    lab = label_ref[...]

    @pl.when(j < nblk - 1)
    def _hot():
        x = predt_ref[...]
        col = ((j + blk_off) * blk_w
               + lax.broadcasted_iota(jnp.int32, (blk_w, blk_b), 0))
        match = col == lab
        g_acc[...] += jnp.sum(jnp.where(match, x, 0.0), axis=0, keepdims=True)
        s_acc[...] += jnp.sum(jnp.exp(x), axis=0, keepdims=True)
        m_acc[...] = jnp.maximum(m_acc[...], jnp.max(x, axis=0, keepdims=True))
        z_acc[...] += jnp.sum(jnp.where(x == 0.0, 1.0, 0.0), axis=0,
                              keepdims=True)

    @pl.when(j == nblk - 1)
    def _last():
        x = predt_ref[...]
        col = ((j + blk_off) * blk_w
               + lax.broadcasted_iota(jnp.int32, (blk_w, blk_b), 0))
        valid = col < c_total
        xm = jnp.where(valid, x, -jnp.inf)
        match = col == lab
        g_out[...] = g_acc[...] + jnp.sum(jnp.where(match, x, 0.0), axis=0,
                                          keepdims=True)
        s_out[...] = s_acc[...] + jnp.sum(jnp.exp(xm), axis=0, keepdims=True)
        m_out[...] = jnp.maximum(m_acc[...],
                                 jnp.max(xm, axis=0, keepdims=True))
        z_out[...] = z_acc[...] + jnp.sum(
            jnp.where(valid & (x == 0.0), 1.0, 0.0), axis=0, keepdims=True)


def _tc_pass(predt, label1b, blk_off):
    c, b = predt.shape
    nblk = pl.cdiv(c, _BLK_W) - blk_off
    part = jax.ShapeDtypeStruct((1, b), jnp.float32)
    return pl.pallas_call(
        functools.partial(_tc_body, c, blk_off),
        grid=(nblk,),
        in_specs=[
            pl.BlockSpec((1, b), lambda j: (0, 0)),
            pl.BlockSpec((_BLK_W, b), lambda j: (j + blk_off, 0)),
        ],
        out_specs=[pl.BlockSpec((1, b), lambda j: (0, 0))] * 4,
        out_shape=[part] * 4,
        scratch_shapes=[pltpu.VMEM((1, b), jnp.float32)] * 4,
        compiler_params=pltpu.CompilerParams(
            vmem_limit_bytes=100 * 1024 * 1024),
    )(label1b, predt)


def _sc_pass(predt, label, sc_rows):
    c, b = predt.shape
    nc, ns = _sc_info()
    nw = nc * ns
    nr = sc_rows // nw
    cw = _SC_CHUNK
    nch = nr // cw
    assert sc_rows % nw == 0 and nr % (2 * cw) == 0 and b % 16 == 0
    ng = b // 16
    mesh = plsc.VectorSubcoreMesh(core_axis_name="c", subcore_axis_name="s")
    part = jax.ShapeDtypeStruct((nw, b), jnp.float32)

    @functools.partial(
        pl.kernel,
        mesh=mesh,
        cost_estimate=pl.CostEstimate(
            flops=8 * sc_rows * b, transcendentals=sc_rows * b,
            bytes_accessed=4 * sc_rows * b),
        compiler_params=pltpu.CompilerParams(use_tc_tiling_on_sc=True),
        out_type=(part, part, part, part),
        scratch_types=[
            pltpu.VMEM((b,), jnp.int32),
            pltpu.VMEM((cw, b), jnp.float32),
            pltpu.VMEM((cw, b), jnp.float32),
            pltpu.VMEM((b,), jnp.float32),
            pltpu.VMEM((b,), jnp.float32),
            pltpu.VMEM((b,), jnp.float32),
            pltpu.VMEM((b,), jnp.float32),
            pltpu.SemaphoreType.DMA,
            pltpu.SemaphoreType.DMA,
        ],
    )
    def sck(predt_hbm, label_hbm, s_hbm, m_hbm, g_hbm, z_hbm,
            lab_v, buf0, buf1, s_v, m_v, g_v, z_v, sem0, sem1):
        wid = lax.axis_index("s") * nc + lax.axis_index("c")
        base_row = wid * nr
        pltpu.sync_copy(label_hbm, lab_v)

        def _initg(l, _):
            l16 = l * 16
            s_v[pl.ds(l16, 16)] = jnp.zeros((16,), jnp.float32)
            m_v[pl.ds(l16, 16)] = jnp.full((16,), -jnp.inf, jnp.float32)
            g_v[pl.ds(l16, 16)] = jnp.zeros((16,), jnp.float32)
            z_v[pl.ds(l16, 16)] = jnp.zeros((16,), jnp.float32)
            return 0

        lax.fori_loop(0, ng, _initg, 0)

        bufs = (buf0, buf1)
        sems = (sem0, sem1)
        for par in (0, 1):
            pltpu.async_copy(
                predt_hbm.at[pl.ds(base_row + par * cw, cw)], bufs[par],
                sems[par])

        def chunk_pair(t, _):
            for par in (0, 1):
                ch = 2 * t + par
                row0 = base_row + ch * cw
                buf = bufs[par]
                pltpu.make_async_copy(
                    predt_hbm.at[pl.ds(row0, cw)], buf, sems[par]).wait()

                def group(l, _):
                    l16 = l * 16
                    lab_vec = lab_v[pl.ds(l16, 16)]

                    def row(r, carry):
                        s, m, z, g = carry
                        v = buf[r, pl.ds(l16, 16)]
                        s = s + jnp.exp(v)
                        m = jnp.maximum(m, v)
                        z = z + jnp.where(v == 0.0, 1.0, 0.0)
                        g = g + jnp.where(lab_vec == row0 + r, v, 0.0)
                        return s, m, z, g

                    init = (s_v[pl.ds(l16, 16)], m_v[pl.ds(l16, 16)],
                            z_v[pl.ds(l16, 16)], g_v[pl.ds(l16, 16)])
                    s, m, z, g = lax.fori_loop(0, cw, row, init, unroll=8)
                    s_v[pl.ds(l16, 16)] = s
                    m_v[pl.ds(l16, 16)] = m
                    z_v[pl.ds(l16, 16)] = z
                    g_v[pl.ds(l16, 16)] = g
                    return 0

                lax.fori_loop(0, ng, group, 0)

                @pl.when(ch + 2 < nch)
                def _next():
                    pltpu.async_copy(
                        predt_hbm.at[pl.ds(row0 + 2 * cw, cw)], buf,
                        sems[par])
            return 0

        lax.fori_loop(0, nch // 2, chunk_pair, 0)
        pltpu.sync_copy(s_v, s_hbm.at[wid])
        pltpu.sync_copy(m_v, m_hbm.at[wid])
        pltpu.sync_copy(g_v, g_hbm.at[wid])
        pltpu.sync_copy(z_v, z_hbm.at[wid])

    return sck(predt, label.astype(jnp.int32))


def _combine_body(s1, m1, g1, z1, s2, m2, g2, z2, out_ref):
    s = s1[...] + jnp.sum(s2[...], axis=0, keepdims=True)
    m = jnp.maximum(m1[...], jnp.max(m2[...], axis=0, keepdims=True))
    g = g1[...] + jnp.sum(g2[...], axis=0, keepdims=True)
    z = z1[...] + jnp.sum(z2[...], axis=0, keepdims=True)
    masked = jnp.exp(m) > 0.5 * s
    at_label = masked & (g == m)
    base = -(1.0 - _LS) * jnp.log(jnp.where(at_label, 1.0 - g, g))
    extra = jnp.where(masked & jnp.logical_not(at_label),
                      -_LS * jnp.log(1.0 - m), 0.0)
    loss = jnp.mean(base + extra)
    z_nonlabel = z - jnp.where(g == 0.0, 1.0, 0.0)
    has_nan = jnp.max(z_nonlabel) > 0.0
    out_ref[...] = jnp.full((1, 1),
                            jnp.where(has_nan, jnp.float32(jnp.nan), loss))


def _combine(tc_parts, sc_parts):
    return pl.pallas_call(
        _combine_body,
        out_shape=jax.ShapeDtypeStruct((1, 1), jnp.float32),
    )(*tc_parts, *sc_parts)


@jax.jit
def kernel(pred, label):
    b, c = pred.shape
    predt = pred.T
    label1b = label.reshape(1, b).astype(jnp.int32)
    sc_rows = _SC_BLOCKS * _BLK_W
    sc_parts = _sc_pass(predt, label, sc_rows)
    tc_parts = _tc_pass(predt, label1b, _SC_BLOCKS)
    return _combine(tc_parts, sc_parts).reshape(())

# --- scband reference (transcript-rebuilt; emitter-appended) ---
"""Pipeline reference for scband-ce-hs-50740743635432 (READ-ONLY COPY).

The authoritative reference and input builder live on the scoring server;
editing this copy changes nothing except your own understanding.
"""

import jax, jax.numpy as jnp
import numpy as np

LABEL_SMOOTH = 0.1
CONF_THRES = 0.5
B = 1024
C = 100000


def setup_inputs(seed: int = 0) -> dict:
    key = jax.random.key(seed)
    k1, k2 = jax.random.split(key)
    pred = jax.random.uniform(k1, (B, C), dtype=jnp.float32)
    label = jax.random.randint(k2, (B,), 0, C, dtype=jnp.int32)
    return {"pred": pred, "label": label}


def reference(pred, label):
    # softmax over class dim (dim=1)
    pred_tmp = jax.nn.softmax(pred, axis=1)
    # hard-sample mask: confident predictions
    mask = pred_tmp > CONF_THRES
    # true_dist[x, y] = label_smooth where mask, else 0
    true_dist = jnp.where(mask, jnp.float32(LABEL_SMOOTH), jnp.float32(0.0))
    # pred_clone[x, y] = 1 - pred[x, y] where mask, else pred
    pred_clone = jnp.where(mask, 1.0 - pred, pred)
    # scatter_(1, label.unsqueeze(1), 1 - label_smooth): overwrite label column
    rows = jnp.arange(pred.shape[0])
    true_dist = true_dist.at[rows, label].set(jnp.float32(1.0 - LABEL_SMOOTH))
    # mean over batch of per-row sum of -true_dist * log(pred_clone)
    loss = jnp.mean(jnp.sum(-true_dist * jnp.log(pred_clone), axis=1))
    return loss

if __name__ == "__main__":
    import jax
    _d = setup_inputs()
    print(jax.jit(kernel)(*tuple(_d.values())))

</pallas_src>

<mosaic_0001>
#map = affine_map<(d0, d1) -> (0, 0)>
#map1 = affine_map<(d0, d1) -> (0)>
module attributes {stable_mosaic.version = 14 : i64} {
  func.func @sck(%arg0: i32, %arg1: i32, %arg2: memref<100000x1024xf32, #tpu.memory_space<hbm>>, %arg3: memref<1024xi32, #tpu.memory_space<hbm>>, %arg4: memref<32x1024xf32, #tpu.memory_space<hbm>>, %arg5: memref<32x1024xf32, #tpu.memory_space<hbm>>, %arg6: memref<32x1024xf32, #tpu.memory_space<hbm>>, %arg7: memref<32x1024xf32, #tpu.memory_space<hbm>>, %arg8: memref<1024xi32, #tpu.memory_space<vmem>>, %arg9: memref<32x1024xf32, #tpu.memory_space<vmem>>, %arg10: memref<32x1024xf32, #tpu.memory_space<vmem>>, %arg11: memref<1024xf32, #tpu.memory_space<vmem>>, %arg12: memref<1024xf32, #tpu.memory_space<vmem>>, %arg13: memref<1024xf32, #tpu.memory_space<vmem>>, %arg14: memref<1024xf32, #tpu.memory_space<vmem>>, %arg15: memref<!tpu.dma_semaphore, #tpu.memory_space<semaphore_mem>>, %arg16: memref<!tpu.dma_semaphore, #tpu.memory_space<semaphore_mem>>) attributes {dimension_semantics = [#tpu.dimension_semantics<core_parallel>, #tpu.dimension_semantics<subcore_parallel>], iteration_bounds = array<i64: 2, 16>, scalar_prefetch = 0 : i64, scratch_operands = 9 : i64, tpu.core_type = #tpu.core_type<sc_vector_subcore>, window_params = [{transform_indices = #map}, {transform_indices = #map1}, {transform_indices = #map}, {transform_indices = #map}, {transform_indices = #map}, {transform_indices = #map}]} {
    %mul3A = arith.constant 2 : i32
    %mul3A_0 = arith.muli %arg1, %mul3A : i32
    %add3A = arith.addi %mul3A_0, %arg0 : i32
    %mul3A_1 = arith.constant 1024 : i32
    %mul3A_2 = arith.muli %add3A, %mul3A_1 : i32
    "tpu.region"() ({
      %run_scoped3A = tpu.sem_alloc : memref<!tpu.dma_semaphore, #tpu.memory_space<semaphore_mem>>
      tpu.enqueue_dma source(%arg3 : memref<1024xi32, #tpu.memory_space<hbm>>) target(%arg8 : memref<1024xi32, #tpu.memory_space<vmem>>) target_semaphore(%run_scoped3A : memref<!tpu.dma_semaphore, #tpu.memory_space<semaphore_mem>>)
      tpu.wait_dma2 semaphore(%run_scoped3A : memref<!tpu.dma_semaphore, #tpu.memory_space<semaphore_mem>>) src(%arg3 : memref<1024xi32, #tpu.memory_space<hbm>>) dst(%arg8 : memref<1024xi32, #tpu.memory_space<vmem>>)
      tpu.yield
    }) : () -> ()
    %scan3A = arith.constant 0 : i32
    %scan3A_3 = arith.constant 0 : i32
    %scan3A_4 = arith.constant 64 : i32
    %scan3A_5 = arith.addi %scan3A_3, %scan3A_4 : i32
    %scan3A_6 = arith.constant 1 : i32
    %scan3A_7 = scf.for %scan3A_27 = %scan3A_3 to %scan3A_5 step %scan3A_6 iter_args(%scan3A_28 = %scan3A) -> (i32)  : i32 {
      %mul3A_29 = arith.constant 16 : i32
      %mul3A_30 = arith.muli %scan3A_27, %mul3A_29 : i32
      %broadcast_in_dim3A = arith.constant 0.000000e+00 : f32
      %broadcast_in_dim3A_31 = vector.broadcast %broadcast_in_dim3A : f32 to vector<16xf32>
      %swap3A = arith.index_cast %mul3A_30 : i32 to index
      %swap3A_32 = tpu.vector_load %arg11[%swap3A] {strides = array<i32>} : memref<1024xf32, #tpu.memory_space<vmem>>, vector<16xf32>,
      %swap3A_33 = vector.shape_cast %swap3A_32 : vector<16xf32> to vector<16xf32>
      %swap3A_34 = vector.shape_cast %broadcast_in_dim3A_31 : vector<16xf32> to vector<16xf32>
      tpu.vector_store %arg11[%swap3A], %swap3A_34 {strides = array<i32>} : memref<1024xf32, #tpu.memory_space<vmem>>, vector<16xf32>,
      %broadcast_in_dim3A_35 = arith.constant 0xFF800000 : f32
      %broadcast_in_dim3A_36 = vector.broadcast %broadcast_in_dim3A_35 : f32 to vector<16xf32>
      %swap3A_37 = arith.index_cast %mul3A_30 : i32 to index
      %swap3A_38 = tpu.vector_load %arg12[%swap3A_37] {strides = array<i32>} : memref<1024xf32, #tpu.memory_space<vmem>>, vector<16xf32>,
      %swap3A_39 = vector.shape_cast %swap3A_38 : vector<16xf32> to vector<16xf32>
      %swap3A_40 = vector.shape_cast %broadcast_in_dim3A_36 : vector<16xf32> to vector<16xf32>
      tpu.vector_store %arg12[%swap3A_37], %swap3A_40 {strides = array<i32>} : memref<1024xf32, #tpu.memory_space<vmem>>, vector<16xf32>,
      %broadcast_in_dim3A_41 = arith.constant 0.000000e+00 : f32
      %broadcast_in_dim3A_42 = vector.broadcast %broadcast_in_dim3A_41 : f32 to vector<16xf32>
      %swap3A_43 = arith.index_cast %mul3A_30 : i32 to index
      %swap3A_44 = tpu.vector_load %arg13[%swap3A_43] {strides = array<i32>} : memref<1024xf32, #tpu.memory_space<vmem>>, vector<16xf32>,
      %swap3A_45 = vector.shape_cast %swap3A_44 : vector<16xf32> to vector<16xf32>
      %swap3A_46 = vector.shape_cast %broadcast_in_dim3A_42 : vector<16xf32> to vector<16xf32>
      tpu.vector_store %arg13[%swap3A_43], %swap3A_46 {strides = array<i32>} : memref<1024xf32, #tpu.memory_space<vmem>>, vector<16xf32>,
      %broadcast_in_dim3A_47 = arith.constant 0.000000e+00 : f32
      %broadcast_in_dim3A_48 = vector.broadcast %broadcast_in_dim3A_47 : f32 to vector<16xf32>
      %swap3A_49 = arith.index_cast %mul3A_30 : i32 to index
      %swap3A_50 = tpu.vector_load %arg14[%swap3A_49] {strides = array<i32>} : memref<1024xf32, #tpu.memory_space<vmem>>, vector<16xf32>,
      %swap3A_51 = vector.shape_cast %swap3A_50 : vector<16xf32> to vector<16xf32>
      %swap3A_52 = vector.shape_cast %broadcast_in_dim3A_48 : vector<16xf32> to vector<16xf32>
      tpu.vector_store %arg14[%swap3A_49], %swap3A_52 {strides = array<i32>} : memref<1024xf32, #tpu.memory_space<vmem>>, vector<16xf32>,
      %scan3A_53 = arith.constant 0 : i32
      scf.yield %scan3A_53 : i32
    }
    %scan3A_8 = arith.constant 64 : i32
    %add3A_9 = arith.constant 0 : i32
    %add3A_10 = arith.addi %mul3A_2, %add3A_9 : i32
    %dma_start3A = arith.constant 0 : i32
    %dma_start3A_11 = tpu.memref_slice %arg2[%add3A_10, %dma_start3A] : memref<100000x1024xf32, #tpu.memory_space<hbm>> -> memref<32x1024xf32, #tpu.memory_space<hbm>>
    %dma_start3A_12 = arith.constant 0 : i32
    %dma_start3A_13 = tpu.memref_slice %arg2[%add3A_10, %dma_start3A_12] : memref<100000x1024xf32, #tpu.memory_space<hbm>> -> memref<32x1024xf32, #tpu.memory_space<hbm>>
    tpu.enqueue_dma source(%dma_start3A_13 : memref<32x1024xf32, #tpu.memory_space<hbm>>) target(%arg9 : memref<32x1024xf32, #tpu.memory_space<vmem>>) target_semaphore(%arg15 : memref<!tpu.dma_semaphore, #tpu.memory_space<semaphore_mem>>)
    %add3A_14 = arith.constant 32 : i32
    %add3A_15 = arith.addi %mul3A_2, %add3A_14 : i32
    %dma_start3A_16 = arith.constant 0 : i32
    %dma_start3A_17 = tpu.memref_slice %arg2[%add3A_15, %dma_start3A_16] : memref<100000x1024xf32, #tpu.memory_space<hbm>> -> memref<32x1024xf32, #tpu.memory_space<hbm>>
    %dma_start3A_18 = arith.constant 0 : i32
    %dma_start3A_19 = tpu.memref_slice %arg2[%add3A_15, %dma_start3A_18] : memref<100000x1024xf32, #tpu.memory_space<hbm>> -> memref<32x1024xf32, #tpu.memory_space<hbm>>
    tpu.enqueue_dma source(%dma_start3A_19 : memref<32x1024xf32, #tpu.memory_space<hbm>>) target(%arg10 : memref<32x1024xf32, #tpu.memory_space<vmem>>) target_semaphore(%arg16 : memref<!tpu.dma_semaphore, #tpu.memory_space<semaphore_mem>>)
    %scan3A_20 = arith.constant 0 : i32
    %scan3A_21 = arith.constant 0 : i32
    %scan3A_22 = arith.constant 16 : i32
    %scan3A_23 = arith.addi %scan3A_21, %scan3A_22 : i32
    %scan3A_24 = arith.constant 1 : i32
    %scan3A_25 = scf.for %scan3A_27 = %scan3A_21 to %scan3A_23 step %scan3A_24 iter_args(%scan3A_28 = %scan3A_20) -> (i32)  : i32 {
      %mul3A_29 = arith.constant 2 : i32
      %mul3A_30 = arith.muli %mul3A_29, %scan3A_27 : i32
      %add3A_31 = arith.constant 0 : i32
      %add3A_32 = arith.addi %mul3A_30, %add3A_31 : i32
      %mul3A_33 = arith.constant 32 : i32
      %mul3A_34 = arith.muli %add3A_32, %mul3A_33 : i32
      %add3A_35 = arith.addi %mul3A_2, %mul3A_34 : i32
      %dma_wait3A = arith.constant 0 : i32
      %dma_wait3A_36 = tpu.memref_slice %arg2[%add3A_35, %dma_wait3A] : memref<100000x1024xf32, #tpu.memory_space<hbm>> -> memref<32x1024xf32, #tpu.memory_space<hbm>>
      %dma_wait3A_37 = arith.constant 0 : i32
      %dma_wait3A_38 = tpu.memref_slice %arg2[%add3A_35, %dma_wait3A_37] : memref<100000x1024xf32, #tpu.memory_space<hbm>> -> memref<32x1024xf32, #tpu.memory_space<hbm>>
      tpu.wait_dma2 semaphore(%arg15 : memref<!tpu.dma_semaphore, #tpu.memory_space<semaphore_mem>>) src(%dma_wait3A_38 : memref<32x1024xf32, #tpu.memory_space<hbm>>) dst(%arg9 : memref<32x1024xf32, #tpu.memory_space<vmem>>)
      %scan3A_39 = arith.constant 0 : i32
      %scan3A_40 = arith.constant 0 : i32
      %scan3A_41 = arith.constant 64 : i32
      %scan3A_42 = arith.addi %scan3A_40, %scan3A_41 : i32
      %scan3A_43 = arith.constant 1 : i32
      %scan3A_44 = scf.for %scan3A_76 = %scan3A_40 to %scan3A_42 step %scan3A_43 iter_args(%scan3A_77 = %scan3A_39) -> (i32)  : i32 {
        %mul3A_78 = arith.constant 16 : i32
        %mul3A_79 = arith.muli %scan3A_76, %mul3A_78 : i32
        %get3A = arith.index_cast %mul3A_79 : i32 to index
        %get3A_80 = tpu.vector_load %arg8[%get3A] {strides = array<i32>} : memref<1024xi32, #tpu.memory_space<vmem>>, vector<16xi32>,
        %get3A_81 = vector.shape_cast %get3A_80 : vector<16xi32> to vector<16xi32>
        %get3A_82 = arith.index_cast %mul3A_79 : i32 to index
        %get3A_83 = tpu.vector_load %arg11[%get3A_82] {strides = array<i32>} : memref<1024xf32, #tpu.memory_space<vmem>>, vector<16xf32>,
        %get3A_84 = vector.shape_cast %get3A_83 : vector<16xf32> to vector<16xf32>
        %get3A_85 = arith.index_cast %mul3A_79 : i32 to index
        %get3A_86 = tpu.vector_load %arg12[%get3A_85] {strides = array<i32>} : memref<1024xf32, #tpu.memory_space<vmem>>, vector<16xf32>,
        %get3A_87 = vector.shape_cast %get3A_86 : vector<16xf32> to vector<16xf32>
        %get3A_88 = arith.index_cast %mul3A_79 : i32 to index
        %get3A_89 = tpu.vector_load %arg14[%get3A_88] {strides = array<i32>} : memref<1024xf32, #tpu.memory_space<vmem>>, vector<16xf32>,
        %get3A_90 = vector.shape_cast %get3A_89 : vector<16xf32> to vector<16xf32>
        %get3A_91 = arith.index_cast %mul3A_79 : i32 to index
        %get3A_92 = tpu.vector_load %arg13[%get3A_91] {strides = array<i32>} : memref<1024xf32, #tpu.memory_space<vmem>>, vector<16xf32>,
        %get3A_93 = vector.shape_cast %get3A_92 : vector<16xf32> to vector<16xf32>
        %scan3A_94 = arith.constant 0 : i32
        %scan3A_95 = arith.constant 32 : i32
        %scan3A_96 = arith.addi %scan3A_94, %scan3A_95 : i32
        %scan3A_97 = arith.constant 8 : i32
        %scan3A_98:4 = scf.for %scan3A_116 = %scan3A_94 to %scan3A_96 step %scan3A_97 iter_args(%scan3A_117 = %get3A_84, %scan3A_118 = %get3A_87, %scan3A_119 = %get3A_90, %scan3A_120 = %get3A_93) -> (vector<16xf32>, vector<16xf32>, vector<16xf32>, vector<16xf32>)  : i32 {
          %get3A_121 = arith.index_cast %scan3A_116 : i32 to index
          %get3A_122 = arith.index_cast %mul3A_79 : i32 to index
          %get3A_123 = tpu.vector_load %arg9[%get3A_121, %get3A_122] {strides = array<i32>} : memref<32x1024xf32, #tpu.memory_space<vmem>>, vector<1x16xf32>,
          %get3A_124 = vector.shape_cast %get3A_123 : vector<1x16xf32> to vector<16xf32>
          %exp3A = math.exp %get3A_124 : vector<16xf32>
          %add3A_125 = arith.addf %scan3A_117, %exp3A : vector<16xf32>
          %max3A = arith.maximumf %scan3A_118, %get3A_124 : vector<16xf32>
          %eq3A = arith.constant 0.000000e+00 : f32
          %eq3A_126 = vector.broadcast %eq3A : f32 to vector<16xf32>
          %eq3A_127 = arith.cmpf oeq, %get3A_124, %eq3A_126 : vector<16xf32>
          %jit3A = arith.constant 1.000000e+00 : f32
          %jit3A_128 = arith.constant 0.000000e+00 : f32
          %broadcast_in_dim3A = vector.broadcast %jit3A : f32 to vector<16xf32>
          %broadcast_in_dim3A_129 = vector.broadcast %jit3A_128 : f32 to vector<16xf32>
          %select_n3A = arith.select %eq3A_127, %broadcast_in_dim3A, %broadcast_in_dim3A_129 : vector<16xi1>, vector<16xf32>
          %add3A_130 = arith.addf %scan3A_119, %select_n3A : vector<16xf32>
          %add3A_131 = arith.addi %add3A_35, %scan3A_116 : i32
          %eq3A_132 = vector.broadcast %add3A_131 : i32 to vector<16xi32>
          %eq3A_133 = arith.cmpi eq, %get3A_81, %eq3A_132 : vector<16xi32>
          %jit3A_134 = arith.constant 0.000000e+00 : f32
          %broadcast_in_dim3A_135 = vector.broadcast %jit3A_134 : f32 to vector<16xf32>
          %select_n3A_136 = arith.select %eq3A_133, %get3A_124, %broadcast_in_dim3A_135 : vector<16xi1>, vector<16xf32>
          %add3A_137 = arith.addf %scan3A_120, %select_n3A_136 : vector<16xf32>
          %scan3A_138 = arith.constant 1 : i32
          %scan3A_139 = arith.addi %scan3A_116, %scan3A_138 : i32
          %get3A_140 = arith.index_cast %scan3A_139 : i32 to index
          %get3A_141 = arith.index_cast %mul3A_79 : i32 to index
          %get3A_142 = tpu.vector_load %arg9[%get3A_140, %get3A_141] {strides = array<i32>} : memref<32x1024xf32, #tpu.memory_space<vmem>>, vector<1x16xf32>,
          %get3A_143 = vector.shape_cast %get3A_142 : vector<1x16xf32> to vector<16xf32>
          %exp3A_144 = math.exp %get3A_143 : vector<16xf32>
          %add3A_145 = arith.addf %add3A_125, %exp3A_144 : vector<16xf32>
          %max3A_146 = arith.maximumf %max3A, %get3A_143 : vector<16xf32>
          %eq3A_147 = arith.constant 0.000000e+00 : f32
          %eq3A_148 = vector.broadcast %eq3A_147 : f32 to vector<16xf32>
          %eq3A_149 = arith.cmpf oeq, %get3A_143, %eq3A_148 : vector<16xf32>
          %jit3A_150 = arith.constant 1.000000e+00 : f32
          %jit3A_151 = arith.constant 0.000000e+00 : f32
          %broadcast_in_dim3A_152 = vector.broadcast %jit3A_150 : f32 to vector<16xf32>
          %broadcast_in_dim3A_153 = vector.broadcast %jit3A_151 : f32 to vector<16xf32>
          %select_n3A_154 = arith.select %eq3A_149, %broadcast_in_dim3A_152, %broadcast_in_dim3A_153 : vector<16xi1>, vector<16xf32>
          %add3A_155 = arith.addf %add3A_130, %select_n3A_154 : vector<16xf32>
          %add3A_156 = arith.addi %add3A_35, %scan3A_139 : i32
          %eq3A_157 = vector.broadcast %add3A_156 : i32 to vector<16xi32>
          %eq3A_158 = arith.cmpi eq, %get3A_81, %eq3A_157 : vector<16xi32>
          %jit3A_159 = arith.constant 0.000000e+00 : f32
          %broadcast_in_dim3A_160 = vector.broadcast %jit3A_159 : f32 to vector<16xf32>
          %select_n3A_161 = arith.select %eq3A_158, %get3A_143, %broadcast_in_dim3A_160 : vector<16xi1>, vector<16xf32>
          %add3A_162 = arith.addf %add3A_137, %select_n3A_161 : vector<16xf32>
          %scan3A_163 = arith.constant 2 : i32
          %scan3A_164 = arith.addi %scan3A_116, %scan3A_163 : i32
          %get3A_165 = arith.index_cast %scan3A_164 : i32 to index
          %get3A_166 = arith.index_cast %mul3A_79 : i32 to index
          %get3A_167 = tpu.vector_load %arg9[%get3A_165, %get3A_166] {strides = array<i32>} : memref<32x1024xf32, #tpu.memory_space<vmem>>, vector<1x16xf32>,
          %get3A_168 = vector.shape_cast %get3A_167 : vector<1x16xf32> to vector<16xf32>
          %exp3A_169 = math.exp %get3A_168 : vector<16xf32>
          %add3A_170 = arith.addf %add3A_145, %exp3A_169 : vector<16xf32>
          %max3A_171 = arith.maximumf %max3A_146, %get3A_168 : vector<16xf32>
          %eq3A_172 = arith.constant 0.000000e+00 : f32
          %eq3A_173 = vector.broadcast %eq3A_172 : f32 to vector<16xf32>
          %eq3A_174 = arith.cmpf oeq, %get3A_168, %eq3A_173 : vector<16xf32>
          %jit3A_175 = arith.constant 1.000000e+00 : f32
          %jit3A_176 = arith.constant 0.000000e+00 : f32
          %broadcast_in_dim3A_177 = vector.broadcast %jit3A_175 : f32 to vector<16xf32>
          %broadcast_in_dim3A_178 = vector.broadcast %jit3A_176 : f32 to vector<16xf32>
          %select_n3A_179 = arith.select %eq3A_174, %broadcast_in_dim3A_177, %broadcast_in_dim3A_178 : vector<16xi1>, vector<16xf32>
          %add3A_180 = arith.addf %add3A_155, %select_n3A_179 : vector<16xf32>
          %add3A_181 = arith.addi %add3A_35, %scan3A_164 : i32
          %eq3A_182 = vector.broadcast %add3A_181 : i32 to vector<16xi32>
          %eq3A_183 = arith.cmpi eq, %get3A_81, %eq3A_182 : vector<16xi32>
          %jit3A_184 = arith.constant 0.000000e+00 : f32
          %broadcast_in_dim3A_185 = vector.broadcast %jit3A_184 : f32 to vector<16xf32>
          %select_n3A_186 = arith.select %eq3A_183, %get3A_168, %broadcast_in_dim3A_185 : vector<16xi1>, vector<16xf32>
          %add3A_187 = arith.addf %add3A_162, %select_n3A_186 : vector<16xf32>
          %scan3A_188 = arith.constant 3 : i32
          %scan3A_189 = arith.addi %scan3A_116, %scan3A_188 : i32
          %get3A_190 = arith.index_cast %scan3A_189 : i32 to index
          %get3A_191 = arith.index_cast %mul3A_79 : i32 to index
          %get3A_192 = tpu.vector_load %arg9[%get3A_190, %get3A_191] {strides = array<i32>} : memref<32x1024xf32, #tpu.memory_space<vmem>>, vector<1x16xf32>,
          %get3A_193 = vector.shape_cast %get3A_192 : vector<1x16xf32> to vector<16xf32>
          %exp3A_194 = math.exp %get3A_193 : vector<16xf32>
          %add3A_195 = arith.addf %add3A_170, %exp3A_194 : vector<16xf32>
          %max3A_196 = arith.maximumf %max3A_171, %get3A_193 : vector<16xf32>
          %eq3A_197 = arith.constant 0.000000e+00 : f32
          %eq3A_198 = vector.broadcast %eq3A_197 : f32 to vector<16xf32>
          %eq3A_199 = arith.cmpf oeq, %get3A_193, %eq3A_198 : vector<16xf32>
          %jit3A_200 = arith.constant 1.000000e+00 : f32
          %jit3A_201 = arith.constant 0.000000e+00 : f32
          %broadcast_in_dim3A_202 = vector.broadcast %jit3A_200 : f32 to vector<16xf32>
          %broadcast_in_dim3A_203 = vector.broadcast %jit3A_201 : f32 to vector<16xf32>
          %select_n3A_204 = arith.select %eq3A_199, %broadcast_in_dim3A_202, %broadcast_in_dim3A_203 : vector<16xi1>, vector<16xf32>
          %add3A_205 = arith.addf %add3A_180, %select_n3A_204 : vector<16xf32>
          %add3A_206 = arith.addi %add3A_35, %scan3A_189 : i32
          %eq3A_207 = vector.broadcast %add3A_206 : i32 to vector<16xi32>
          %eq3A_208 = arith.cmpi eq, %get3A_81, %eq3A_207 : vector<16xi32>
          %jit3A_209 = arith.constant 0.000000e+00 : f32
          %broadcast_in_dim3A_210 = vector.broadcast %jit3A_209 : f32 to vector<16xf32>
          %select_n3A_211 = arith.select %eq3A_208, %get3A_193, %broadcast_in_dim3A_210 : vector<16xi1>, vector<16xf32>
          %add3A_212 = arith.addf %add3A_187, %select_n3A_211 : vector<16xf32>
          %scan3A_213 = arith.constant 4 : i32
          %scan3A_214 = arith.addi %scan3A_116, %scan3A_213 : i32
          %get3A_215 = arith.index_cast %scan3A_214 : i32 to index
          %get3A_216 = arith.index_cast %mul3A_79 : i32 to index
          %get3A_217 = tpu.vector_load %arg9[%get3A_215, %get3A_216] {strides = array<i32>} : memref<32x1024xf32, #tpu.memory_space<vmem>>, vector<1x16xf32>,
          %get3A_218 = vector.shape_cast %get3A_217 : vector<1x16xf32> to vector<16xf32>
          %exp3A_219 = math.exp %get3A_218 : vector<16xf32>
          %add3A_220 = arith.addf %add3A_195, %exp3A_219 : vector<16xf32>
          %max3A_221 = arith.maximumf %max3A_196, %get3A_218 : vector<16xf32>
          %eq3A_222 = arith.constant 0.000000e+00 : f32
          %eq3A_223 = vector.broadcast %eq3A_222 : f32 to vector<16xf32>
          %eq3A_224 = arith.cmpf oeq, %get3A_218, %eq3A_223 : vector<16xf32>
          %jit3A_225 = arith.constant 1.000000e+00 : f32
          %jit3A_226 = arith.constant 0.000000e+00 : f32
          %broadcast_in_dim3A_227 = vector.broadcast %jit3A_225 : f32 to vector<16xf32>
          %broadcast_in_dim3A_228 = vector.broadcast %jit3A_226 : f32 to vector<16xf32>
          %select_n3A_229 = arith.select %eq3A_224, %broadcast_in_dim3A_227, %broadcast_in_dim3A_228 : vector<16xi1>, vector<16xf32>
          %add3A_230 = arith.addf %add3A_205, %select_n3A_229 : vector<16xf32>
          %add3A_231 = arith.addi %add3A_35, %scan3A_214 : i32
          %eq3A_232 = vector.broadcast %add3A_231 : i32 to vector<16xi32>
          %eq3A_233 = arith.cmpi eq, %get3A_81, %eq3A_232 : vector<16xi32>
          %jit3A_234 = arith.constant 0.000000e+00 : f32
          %broadcast_in_dim3A_235 = vector.broadcast %jit3A_234 : f32 to vector<16xf32>
          %select_n3A_236 = arith.select %eq3A_233, %get3A_218, %broadcast_in_dim3A_235 : vector<16xi1>, vector<16xf32>
          %add3A_237 = arith.addf %add3A_212, %select_n3A_236 : vector<16xf32>
          %scan3A_238 = arith.constant 5 : i32
          %scan3A_239 = arith.addi %scan3A_116, %scan3A_238 : i32
          %get3A_240 = arith.index_cast %scan3A_239 : i32 to index
          %get3A_241 = arith.index_cast %mul3A_79 : i32 to index
          %get3A_242 = tpu.vector_load %arg9[%get3A_240, %get3A_241] {strides = array<i32>} : memref<32x1024xf32, #tpu.memory_space<vmem>>, vector<1x16xf32>,
          %get3A_243 = vector.shape_cast %get3A_242 : vector<1x16xf32> to vector<16xf32>
          %exp3A_244 = math.exp %get3A_243 : vector<16xf32>
          %add3A_245 = arith.addf %add3A_220, %exp3A_244 : vector<16xf32>
          %max3A_246 = arith.maximumf %max3A_221, %get3A_243 : vector<16xf32>
          %eq3A_247 = arith.constant 0.000000e+00 : f32
          %eq3A_248 = vector.broadcast %eq3A_247 : f32 to vector<16xf32>
          %eq3A_249 = arith.cmpf oeq, %get3A_243, %eq3A_248 : vector<16xf32>
          %jit3A_250 = arith.constant 1.000000e+00 : f32
          %jit3A_251 = arith.constant 0.000000e+00 : f32
          %broadcast_in_dim3A_252 = vector.broadcast %jit3A_250 : f32 to vector<16xf32>
          %broadcast_in_dim3A_253 = vector.broadcast %jit3A_251 : f32 to vector<16xf32>
          %select_n3A_254 = arith.select %eq3A_249, %broadcast_in_dim3A_252, %broadcast_in_dim3A_253 : vector<16xi1>, vector<16xf32>
          %add3A_255 = arith.addf %add3A_230, %select_n3A_254 : vector<16xf32>
          %add3A_256 = arith.addi %add3A_35, %scan3A_239 : i32
          %eq3A_257 = vector.broadcast %add3A_256 : i32 to vector<16xi32>
          %eq3A_258 = arith.cmpi eq, %get3A_81, %eq3A_257 : vector<16xi32>
          %jit3A_259 = arith.constant 0.000000e+00 : f32
          %broadcast_in_dim3A_260 = vector.broadcast %jit3A_259 : f32 to vector<16xf32>
          %select_n3A_261 = arith.select %eq3A_258, %get3A_243, %broadcast_in_dim3A_260 : vector<16xi1>, vector<16xf32>
          %add3A_262 = arith.addf %add3A_237, %select_n3A_261 : vector<16xf32>
          %scan3A_263 = arith.constant 6 : i32
          %scan3A_264 = arith.addi %scan3A_116, %scan3A_263 : i32
          %get3A_265 = arith.index_cast %scan3A_264 : i32 to index
          %get3A_266 = arith.index_cast %mul3A_79 : i32 to index
          %get3A_267 = tpu.vector_load %arg9[%get3A_265, %get3A_266] {strides = array<i32>} : memref<32x1024xf32, #tpu.memory_space<vmem>>, vector<1x16xf32>,
          %get3A_268 = vector.shape_cast %get3A_267 : vector<1x16xf32> to vector<16xf32>
          %exp3A_269 = math.exp %get3A_268 : vector<16xf32>
          %add3A_270 = arith.addf %add3A_245, %exp3A_269 : vector<16xf32>
          %max3A_271 = arith.maximumf %max3A_246, %get3A_268 : vector<16xf32>
          %eq3A_272 = arith.constant 0.000000e+00 : f32
          %eq3A_273 = vector.broadcast %eq3A_272 : f32 to vector<16xf32>
          %eq3A_274 = arith.cmpf oeq, %get3A_268, %eq3A_273 : vector<16xf32>
          %jit3A_275 = arith.constant 1.000000e+00 : f32
          %jit3A_276 = arith.constant 0.000000e+00 : f32
          %broadcast_in_dim3A_277 = vector.broadcast %jit3A_275 : f32 to vector<16xf32>
          %broadcast_in_dim3A_278 = vector.broadcast %jit3A_276 : f32 to vector<16xf32>
          %select_n3A_279 = arith.select %eq3A_274, %broadcast_in_dim3A_277, %broadcast_in_dim3A_278 : vector<16xi1>, vector<16xf32>
          %add3A_280 = arith.addf %add3A_255, %select_n3A_279 : vector<16xf32>
          %add3A_281 = arith.addi %add3A_35, %scan3A_264 : i32
          %eq3A_282 = vector.broadcast %add3A_281 : i32 to vector<16xi32>
          %eq3A_283 = arith.cmpi eq, %get3A_81, %eq3A_282 : vector<16xi32>
          %jit3A_284 = arith.constant 0.000000e+00 : f32
          %broadcast_in_dim3A_285 = vector.broadcast %jit3A_284 : f32 to vector<16xf32>
          %select_n3A_286 = arith.select %eq3A_283, %get3A_268, %broadcast_in_dim3A_285 : vector<16xi1>, vector<16xf32>
          %add3A_287 = arith.addf %add3A_262, %select_n3A_286 : vector<16xf32>
          %scan3A_288 = arith.constant 7 : i32
          %scan3A_289 = arith.addi %scan3A_116, %scan3A_288 : i32
          %get3A_290 = arith.index_cast %scan3A_289 : i32 to index
          %get3A_291 = arith.index_cast %mul3A_79 : i32 to index
          %get3A_292 = tpu.vector_load %arg9[%get3A_290, %get3A_291] {strides = array<i32>} : memref<32x1024xf32, #tpu.memory_space<vmem>>, vector<1x16xf32>,
          %get3A_293 = vector.shape_cast %get3A_292 : vector<1x16xf32> to vector<16xf32>
          %exp3A_294 = math.exp %get3A_293 : vector<16xf32>
          %add3A_295 = arith.addf %add3A_270, %exp3A_294 : vector<16xf32>
          %max3A_296 = arith.maximumf %max3A_271, %get3A_293 : vector<16xf32>
          %eq3A_297 = arith.constant 0.000000e+00 : f32
          %eq3A_298 = vector.broadcast %eq3A_297 : f32 to vector<16xf32>
          %eq3A_299 = arith.cmpf oeq, %get3A_293, %eq3A_298 : vector<16xf32>
          %jit3A_300 = arith.constant 1.000000e+00 : f32
          %jit3A_301 = arith.constant 0.000000e+00 : f32
          %broadcast_in_dim3A_302 = vector.broadcast %jit3A_300 : f32 to vector<16xf32>
          %broadcast_in_dim3A_303 = vector.broadcast %jit3A_301 : f32 to vector<16xf32>
          %select_n3A_304 = arith.select %eq3A_299, %broadcast_in_dim3A_302, %broadcast_in_dim3A_303 : vector<16xi1>, vector<16xf32>
          %add3A_305 = arith.addf %add3A_280, %select_n3A_304 : vector<16xf32>
          %add3A_306 = arith.addi %add3A_35, %scan3A_289 : i32
          %eq3A_307 = vector.broadcast %add3A_306 : i32 to vector<16xi32>
          %eq3A_308 = arith.cmpi eq, %get3A_81, %eq3A_307 : vector<16xi32>
          %jit3A_309 = arith.constant 0.000000e+00 : f32
          %broadcast_in_dim3A_310 = vector.broadcast %jit3A_309 : f32 to vector<16xf32>
          %select_n3A_311 = arith.select %eq3A_308, %get3A_293, %broadcast_in_dim3A_310 : vector<16xi1>, vector<16xf32>
          %add3A_312 = arith.addf %add3A_287, %select_n3A_311 : vector<16xf32>
          scf.yield %add3A_295, %max3A_296, %add3A_305, %add3A_312 : vector<16xf32>, vector<16xf32>, vector<16xf32>, vector<16xf32>
        }
        %scan3A_99 = arith.constant 32 : i32
        %swap3A = arith.index_cast %mul3A_79 : i32 to index
        %swap3A_100 = tpu.vector_load %arg11[%swap3A] {strides = array<i32>} : memref<1024xf32, #tpu.memory_space<vmem>>, vector<16xf32>,
        %swap3A_101 = vector.shape_cast %swap3A_100 : vector<16xf32> to vector<16xf32>
        %swap3A_102 = vector.shape_cast %scan3A_98#0 : vector<16xf32> to vector<16xf32>
        tpu.vector_store %arg11[%swap3A], %swap3A_102 {strides = array<i32>} : memref<1024xf32, #tpu.memory_space<vmem>>, vector<16xf32>,
        %swap3A_103 = arith.index_cast %mul3A_79 : i32 to index
        %swap3A_104 = tpu.vector_load %arg12[%swap3A_103] {strides = array<i32>} : memref<1024xf32, #tpu.memory_space<vmem>>, vector<16xf32>,
        %swap3A_105 = vector.shape_cast %swap3A_104 : vector<16xf32> to vector<16xf32>
        %swap3A_106 = vector.shape_cast %scan3A_98#1 : vector<16xf32> to vector<16xf32>
        tpu.vector_store %arg12[%swap3A_103], %swap3A_106 {strides = array<i32>} : memref<1024xf32, #tpu.memory_space<vmem>>, vector<16xf32>,
        %swap3A_107 = arith.index_cast %mul3A_79 : i32 to index
        %swap3A_108 = tpu.vector_load %arg14[%swap3A_107] {strides = array<i32>} : memref<1024xf32, #tpu.memory_space<vmem>>, vector<16xf32>,
        %swap3A_109 = vector.shape_cast %swap3A_108 : vector<16xf32> to vector<16xf32>
        %swap3A_110 = vector.shape_cast %scan3A_98#2 : vector<16xf32> to vector<16xf32>
        tpu.vector_store %arg14[%swap3A_107], %swap3A_110 {strides = array<i32>} : memref<1024xf32, #tpu.memory_space<vmem>>, vector<16xf32>,
        %swap3A_111 = arith.index_cast %mul3A_79 : i32 to index
        %swap3A_112 = tpu.vector_load %arg13[%swap3A_111] {strides = array<i32>} : memref<1024xf32, #tpu.memory_space<vmem>>, vector<16xf32>,
        %swap3A_113 = vector.shape_cast %swap3A_112 : vector<16xf32> to vector<16xf32>
        %swap3A_114 = vector.shape_cast %scan3A_98#3 : vector<16xf32> to vector<16xf32>
        tpu.vector_store %arg13[%swap3A_111], %swap3A_114 {strides = array<i32>} : memref<1024xf32, #tpu.memory_space<vmem>>, vector<16xf32>,
        %scan3A_115 = arith.constant 0 : i32
        scf.yield %scan3A_115 : i32
      }
      %scan3A_45 = arith.constant 64 : i32
      %add3A_46 = arith.constant 2 : i32
      %add3A_47 = arith.addi %add3A_32, %add3A_46 : i32
      %lt3A = arith.constant 32 : i32
      %lt3A_48 = arith.cmpi slt, %add3A_47, %lt3A : i32
      %convert_element_type3A = arith.extui %lt3A_48 : i1 to i32
      %cond3A = arith.constant 0 : i32
      %cond3A_49 = arith.cmpi ne, %convert_element_type3A, %cond3A : i32
      scf.if %cond3A_49 {
        %add3A_76 = arith.constant 64 : i32
        %add3A_77 = arith.addi %add3A_35, %add3A_76 : i32
        %dma_start3A_78 = arith.constant 0 : i32
        %dma_start3A_79 = tpu.memref_slice %arg2[%add3A_77, %dma_start3A_78] : memref<100000x1024xf32, #tpu.memory_space<hbm>> -> memref<32x1024xf32, #tpu.memory_space<hbm>>
        %dma_start3A_80 = arith.constant 0 : i32
        %dma_start3A_81 = tpu.memref_slice %arg2[%add3A_77, %dma_start3A_80] : memref<100000x1024xf32, #tpu.memory_space<hbm>> -> memref<32x1024xf32, #tpu.memory_space<hbm>>
        tpu.enqueue_dma source(%dma_start3A_81 : memref<32x1024xf32, #tpu.memory_space<hbm>>) target(%arg9 : memref<32x1024xf32, #tpu.memory_space<vmem>>) target_semaphore(%arg15 : memref<!tpu.dma_semaphore, #tpu.memory_space<semaphore_mem>>)
      } else {
      }
      %mul3A_50 = arith.constant 2 : i32
      %mul3A_51 = arith.muli %mul3A_50, %scan3A_27 : i32
      %add3A_52 = arith.constant 1 : i32
      %add3A_53 = arith.addi %mul3A_51, %add3A_52 : i32
      %mul3A_54 = arith.constant 32 : i32
      %mul3A_55 = arith.muli %add3A_53, %mul3A_54 : i32
      %add3A_56 = arith.addi %mul3A_2, %mul3A_55 : i32
      %dma_wait3A_57 = arith.constant 0 : i32
      %dma_wait3A_58 = tpu.memref_slice %arg2[%add3A_56, %dma_wait3A_57] : memref<100000x1024xf32, #tpu.memory_space<hbm>> -> memref<32x1024xf32, #tpu.memory_space<hbm>>
      %dma_wait3A_59 = arith.constant 0 : i32
      %dma_wait3A_60 = tpu.memref_slice %arg2[%add3A_56, %dma_wait3A_59] : memref<100000x1024xf32, #tpu.memory_space<hbm>> -> memref<32x1024xf32, #tpu.memory_space<hbm>>
      tpu.wait_dma2 semaphore(%arg16 : memref<!tpu.dma_semaphore, #tpu.memory_space<semaphore_mem>>) src(%dma_wait3A_60 : memref<32x1024xf32, #tpu.memory_space<hbm>>) dst(%arg10 : memref<32x1024xf32, #tpu.memory_space<vmem>>)
      %scan3A_61 = arith.constant 0 : i32
      %scan3A_62 = arith.constant 0 : i32
      %scan3A_63 = arith.constant 64 : i32
      %scan3A_64 = arith.addi %scan3A_62, %scan3A_63 : i32
      %scan3A_65 = arith.constant 1 : i32
      %scan3A_66 = scf.for %scan3A_76 = %scan3A_62 to %scan3A_64 step %scan3A_65 iter_args(%scan3A_77 = %scan3A_61) -> (i32)  : i32 {
        %mul3A_78 = arith.constant 16 : i32
        %mul3A_79 = arith.muli %scan3A_76, %mul3A_78 : i32
        %get3A = arith.index_cast %mul3A_79 : i32 to index
        %get3A_80 = tpu.vector_load %arg8[%get3A] {strides = array<i32>} : memref<1024xi32, #tpu.memory_space<vmem>>, vector<16xi32>,
        %get3A_81 = vector.shape_cast %get3A_80 : vector<16xi32> to vector<16xi32>
        %get3A_82 = arith.index_cast %mul3A_79 : i32 to index
        %get3A_83 = tpu.vector_load %arg11[%get3A_82] {strides = array<i32>} : memref<1024xf32, #tpu.memory_space<vmem>>, vector<16xf32>,
        %get3A_84 = vector.shape_cast %get3A_83 : vector<16xf32> to vector<16xf32>
        %get3A_85 = arith.index_cast %mul3A_79 : i32 to index
        %get3A_86 = tpu.vector_load %arg12[%get3A_85] {strides = array<i32>} : memref<1024xf32, #tpu.memory_space<vmem>>, vector<16xf32>,
        %get3A_87 = vector.shape_cast %get3A_86 : vector<16xf32> to vector<16xf32>
        %get3A_88 = arith.index_cast %mul3A_79 : i32 to index
        %get3A_89 = tpu.vector_load %arg14[%get3A_88] {strides = array<i32>} : memref<1024xf32, #tpu.memory_space<vmem>>, vector<16xf32>,
        %get3A_90 = vector.shape_cast %get3A_89 : vector<16xf32> to vector<16xf32>
        %get3A_91 = arith.index_cast %mul3A_79 : i32 to index
        %get3A_92 = tpu.vector_load %arg13[%get3A_91] {strides = array<i32>} : memref<1024xf32, #tpu.memory_space<vmem>>, vector<16xf32>,
        %get3A_93 = vector.shape_cast %get3A_92 : vector<16xf32> to vector<16xf32>
        %scan3A_94 = arith.constant 0 : i32
        %scan3A_95 = arith.constant 32 : i32
        %scan3A_96 = arith.addi %scan3A_94, %scan3A_95 : i32
        %scan3A_97 = arith.constant 8 : i32
        %scan3A_98:4 = scf.for %scan3A_116 = %scan3A_94 to %scan3A_96 step %scan3A_97 iter_args(%scan3A_117 = %get3A_84, %scan3A_118 = %get3A_87, %scan3A_119 = %get3A_90, %scan3A_120 = %get3A_93) -> (vector<16xf32>, vector<16xf32>, vector<16xf32>, vector<16xf32>)  : i32 {
          %get3A_121 = arith.index_cast %scan3A_116 : i32 to index
          %get3A_122 = arith.index_cast %mul3A_79 : i32 to index
          %get3A_123 = tpu.vector_load %arg10[%get3A_121, %get3A_122] {strides = array<i32>} : memref<32x1024xf32, #tpu.memory_space<vmem>>, vector<1x16xf32>,
          %get3A_124 = vector.shape_cast %get3A_123 : vector<1x16xf32> to vector<16xf32>
          %exp3A = math.exp %get3A_124 : vector<16xf32>
          %add3A_125 = arith.addf %scan3A_117, %exp3A : vector<16xf32>
          %max3A = arith.maximumf %scan3A_118, %get3A_124 : vector<16xf32>
          %eq3A = arith.constant 0.000000e+00 : f32
          %eq3A_126 = vector.broadcast %eq3A : f32 to vector<16xf32>
          %eq3A_127 = arith.cmpf oeq, %get3A_124, %eq3A_126 : vector<16xf32>
          %jit3A = arith.constant 1.000000e+00 : f32
          %jit3A_128 = arith.constant 0.000000e+00 : f32
          %broadcast_in_dim3A = vector.broadcast %jit3A : f32 to vector<16xf32>
          %broadcast_in_dim3A_129 = vector.broadcast %jit3A_128 : f32 to vector<16xf32>
          %select_n3A = arith.select %eq3A_127, %broadcast_in_dim3A, %broadcast_in_dim3A_129 : vector<16xi1>, vector<16xf32>
          %add3A_130 = arith.addf %scan3A_119, %select_n3A : vector<16xf32>
          %add3A_131 = arith.addi %add3A_56, %scan3A_116 : i32
          %eq3A_132 = vector.broadcast %add3A_131 : i32 to vector<16xi32>
          %eq3A_133 = arith.cmpi eq, %get3A_81, %eq3A_132 : vector<16xi32>
          %jit3A_134 = arith.constant 0.000000e+00 : f32
          %broadcast_in_dim3A_135 = vector.broadcast %jit3A_134 : f32 to vector<16xf32>
          %select_n3A_136 = arith.select %eq3A_133, %get3A_124, %broadcast_in_dim3A_135 : vector<16xi1>, vector<16xf32>
          %add3A_137 = arith.addf %scan3A_120, %select_n3A_136 : vector<16xf32>
          %scan3A_138 = arith.constant 1 : i32
          %scan3A_139 = arith.addi %scan3A_116, %scan3A_138 : i32
          %get3A_140 = arith.index_cast %scan3A_139 : i32 to index
          %get3A_141 = arith.index_cast %mul3A_79 : i32 to index
          %get3A_142 = tpu.vector_load %arg10[%get3A_140, %get3A_141] {strides = array<i32>} : memref<32x1024xf32, #tpu.memory_space<vmem>>, vector<1x16xf32>,
          %get3A_143 = vector.shape_cast %get3A_142 : vector<1x16xf32> to vector<16xf32>
          %exp3A_144 = math.exp %get3A_143 : vector<16xf32>
          %add3A_145 = arith.addf %add3A_125, %exp3A_144 : vector<16xf32>
          %max3A_146 = arith.maximumf %max3A, %get3A_143 : vector<16xf32>
          %eq3A_147 = arith.constant 0.000000e+00 : f32
          %eq3A_148 = vector.broadcast %eq3A_147 : f32 to vector<16xf32>
          %eq3A_149 = arith.cmpf oeq, %get3A_143, %eq3A_148 : vector<16xf32>
          %jit3A_150 = arith.constant 1.000000e+00 : f32
          %jit3A_151 = arith.constant 0.000000e+00 : f32
          %broadcast_in_dim3A_152 = vector.broadcast %jit3A_150 : f32 to vector<16xf32>
          %broadcast_in_dim3A_153 = vector.broadcast %jit3A_151 : f32 to vector<16xf32>
          %select_n3A_154 = arith.select %eq3A_149, %broadcast_in_dim3A_152, %broadcast_in_dim3A_153 : vector<16xi1>, vector<16xf32>
          %add3A_155 = arith.addf %add3A_130, %select_n3A_154 : vector<16xf32>
          %add3A_156 = arith.addi %add3A_56, %scan3A_139 : i32
          %eq3A_157 = vector.broadcast %add3A_156 : i32 to vector<16xi32>
          %eq3A_158 = arith.cmpi eq, %get3A_81, %eq3A_157 : vector<16xi32>
          %jit3A_159 = arith.constant 0.000000e+00 : f32
          %broadcast_in_dim3A_160 = vector.broadcast %jit3A_159 : f32 to vector<16xf32>
          %select_n3A_161 = arith.select %eq3A_158, %get3A_143, %broadcast_in_dim3A_160 : vector<16xi1>, vector<16xf32>
          %add3A_162 = arith.addf %add3A_137, %select_n3A_161 : vector<16xf32>
          %scan3A_163 = arith.constant 2 : i32
          %scan3A_164 = arith.addi %scan3A_116, %scan3A_163 : i32
          %get3A_165 = arith.index_cast %scan3A_164 : i32 to index
          %get3A_166 = arith.index_cast %mul3A_79 : i32 to index
          %get3A_167 = tpu.vector_load %arg10[%get3A_165, %get3A_166] {strides = array<i32>} : memref<32x1024xf32, #tpu.memory_space<vmem>>, vector<1x16xf32>,
          %get3A_168 = vector.shape_cast %get3A_167 : vector<1x16xf32> to vector<16xf32>
          %exp3A_169 = math.exp %get3A_168 : vector<16xf32>
          %add3A_170 = arith.addf %add3A_145, %exp3A_169 : vector<16xf32>
          %max3A_171 = arith.maximumf %max3A_146, %get3A_168 : vector<16xf32>
          %eq3A_172 = arith.constant 0.000000e+00 : f32
          %eq3A_173 = vector.broadcast %eq3A_172 : f32 to vector<16xf32>
          %eq3A_174 = arith.cmpf oeq, %get3A_168, %eq3A_173 : vector<16xf32>
          %jit3A_175 = arith.constant 1.000000e+00 : f32
          %jit3A_176 = arith.constant 0.000000e+00 : f32
          %broadcast_in_dim3A_177 = vector.broadcast %jit3A_175 : f32 to vector<16xf32>
          %broadcast_in_dim3A_178 = vector.broadcast %jit3A_176 : f32 to vector<16xf32>
          %select_n3A_179 = arith.select %eq3A_174, %broadcast_in_dim3A_177, %broadcast_in_dim3A_178 : vector<16xi1>, vector<16xf32>
          %add3A_180 = arith.addf %add3A_155, %select_n3A_179 : vector<16xf32>
          %add3A_181 = arith.addi %add3A_56, %scan3A_164 : i32
          %eq3A_182 = vector.broadcast %add3A_181 : i32 to vector<16xi32>
          %eq3A_183 = arith.cmpi eq, %get3A_81, %eq3A_182 : vector<16xi32>
          %jit3A_184 = arith.constant 0.000000e+00 : f32
          %broadcast_in_dim3A_185 = vector.broadcast %jit3A_184 : f32 to vector<16xf32>
          %select_n3A_186 = arith.select %eq3A_183, %get3A_168, %broadcast_in_dim3A_185 : vector<16xi1>, vector<16xf32>
          %add3A_187 = arith.addf %add3A_162, %select_n3A_186 : vector<16xf32>
          %scan3A_188 = arith.constant 3 : i32
          %scan3A_189 = arith.addi %scan3A_116, %scan3A_188 : i32
          %get3A_190 = arith.index_cast %scan3A_189 : i32 to index
          %get3A_191 = arith.index_cast %mul3A_79 : i32 to index
          %get3A_192 = tpu.vector_load %arg10[%get3A_190, %get3A_191] {strides = array<i32>} : memref<32x1024xf32, #tpu.memory_space<vmem>>, vector<1x16xf32>,
          %get3A_193 = vector.shape_cast %get3A_192 : vector<1x16xf32> to vector<16xf32>
          %exp3A_194 = math.exp %get3A_193 : vector<16xf32>
          %add3A_195 = arith.addf %add3A_170, %exp3A_194 : vector<16xf32>
          %max3A_196 = arith.maximumf %max3A_171, %get3A_193 : vector<16xf32>
          %eq3A_197 = arith.constant 0.000000e+00 : f32
          %eq3A_198 = vector.broadcast %eq3A_197 : f32 to vector<16xf32>
          %eq3A_199 = arith.cmpf oeq, %get3A_193, %eq3A_198 : vector<16xf32>
          %jit3A_200 = arith.constant 1.000000e+00 : f32
          %jit3A_201 = arith.constant 0.000000e+00 : f32
          %broadcast_in_dim3A_202 = vector.broadcast %jit3A_200 : f32 to vector<16xf32>
          %broadcast_in_dim3A_203 = vector.broadcast %jit3A_201 : f32 to vector<16xf32>
          %select_n3A_204 = arith.select %eq3A_199, %broadcast_in_dim3A_202, %broadcast_in_dim3A_203 : vector<16xi1>, vector<16xf32>
          %add3A_205 = arith.addf %add3A_180, %select_n3A_204 : vector<16xf32>
          %add3A_206 = arith.addi %add3A_56, %scan3A_189 : i32
          %eq3A_207 = vector.broadcast %add3A_206 : i32 to vector<16xi32>
          %eq3A_208 = arith.cmpi eq, %get3A_81, %eq3A_207 : vector<16xi32>
          %jit3A_209 = arith.constant 0.000000e+00 : f32
          %broadcast_in_dim3A_210 = vector.broadcast %jit3A_209 : f32 to vector<16xf32>
          %select_n3A_211 = arith.select %eq3A_208, %get3A_193, %broadcast_in_dim3A_210 : vector<16xi1>, vector<16xf32>
          %add3A_212 = arith.addf %add3A_187, %select_n3A_211 : vector<16xf32>
          %scan3A_213 = arith.constant 4 : i32
          %scan3A_214 = arith.addi %scan3A_116, %scan3A_213 : i32
          %get3A_215 = arith.index_cast %scan3A_214 : i32 to index
          %get3A_216 = arith.index_cast %mul3A_79 : i32 to index
          %get3A_217 = tpu.vector_load %arg10[%get3A_215, %get3A_216] {strides = array<i32>} : memref<32x1024xf32, #tpu.memory_space<vmem>>, vector<1x16xf32>,
          %get3A_218 = vector.shape_cast %get3A_217 : vector<1x16xf32> to vector<16xf32>
          %exp3A_219 = math.exp %get3A_218 : vector<16xf32>
          %add3A_220 = arith.addf %add3A_195, %exp3A_219 : vector<16xf32>
          %max3A_221 = arith.maximumf %max3A_196, %get3A_218 : vector<16xf32>
          %eq3A_222 = arith.constant 0.000000e+00 : f32
          %eq3A_223 = vector.broadcast %eq3A_222 : f32 to vector<16xf32>
          %eq3A_224 = arith.cmpf oeq, %get3A_218, %eq3A_223 : vector<16xf32>
          %jit3A_225 = arith.constant 1.000000e+00 : f32
          %jit3A_226 = arith.constant 0.000000e+00 : f32
          %broadcast_in_dim3A_227 = vector.broadcast %jit3A_225 : f32 to vector<16xf32>
          %broadcast_in_dim3A_228 = vector.broadcast %jit3A_226 : f32 to vector<16xf32>
          %select_n3A_229 = arith.select %eq3A_224, %broadcast_in_dim3A_227, %broadcast_in_dim3A_228 : vector<16xi1>, vector<16xf32>
          %add3A_230 = arith.addf %add3A_205, %select_n3A_229 : vector<16xf32>
          %add3A_231 = arith.addi %add3A_56, %scan3A_214 : i32
          %eq3A_232 = vector.broadcast %add3A_231 : i32 to vector<16xi32>
          %eq3A_233 = arith.cmpi eq, %get3A_81, %eq3A_232 : vector<16xi32>
          %jit3A_234 = arith.constant 0.000000e+00 : f32
          %broadcast_in_dim3A_235 = vector.broadcast %jit3A_234 : f32 to vector<16xf32>
          %select_n3A_236 = arith.select %eq3A_233, %get3A_218, %broadcast_in_dim3A_235 : vector<16xi1>, vector<16xf32>
          %add3A_237 = arith.addf %add3A_212, %select_n3A_236 : vector<16xf32>
          %scan3A_238 = arith.constant 5 : i32
          %scan3A_239 = arith.addi %scan3A_116, %scan3A_238 : i32
          %get3A_240 = arith.index_cast %scan3A_239 : i32 to index
          %get3A_241 = arith.index_cast %mul3A_79 : i32 to index
          %get3A_242 = tpu.vector_load %arg10[%get3A_240, %get3A_241] {strides = array<i32>} : memref<32x1024xf32, #tpu.memory_space<vmem>>, vector<1x16xf32>,
          %get3A_243 = vector.shape_cast %get3A_242 : vector<1x16xf32> to vector<16xf32>
          %exp3A_244 = math.exp %get3A_243 : vector<16xf32>
          %add3A_245 = arith.addf %add3A_220, %exp3A_244 : vector<16xf32>
          %max3A_246 = arith.maximumf %max3A_221, %get3A_243 : vector<16xf32>
          %eq3A_247 = arith.constant 0.000000e+00 : f32
          %eq3A_248 = vector.broadcast %eq3A_247 : f32 to vector<16xf32>
          %eq3A_249 = arith.cmpf oeq, %get3A_243, %eq3A_248 : vector<16xf32>
          %jit3A_250 = arith.constant 1.000000e+00 : f32
          %jit3A_251 = arith.constant 0.000000e+00 : f32
          %broadcast_in_dim3A_252 = vector.broadcast %jit3A_250 : f32 to vector<16xf32>
          %broadcast_in_dim3A_253 = vector.broadcast %jit3A_251 : f32 to vector<16xf32>
          %select_n3A_254 = arith.select %eq3A_249, %broadcast_in_dim3A_252, %broadcast_in_dim3A_253 : vector<16xi1>, vector<16xf32>
          %add3A_255 = arith.addf %add3A_230, %select_n3A_254 : vector<16xf32>
          %add3A_256 = arith.addi %add3A_56, %scan3A_239 : i32
          %eq3A_257 = vector.broadcast %add3A_256 : i32 to vector<16xi32>
          %eq3A_258 = arith.cmpi eq, %get3A_81, %eq3A_257 : vector<16xi32>
          %jit3A_259 = arith.constant 0.000000e+00 : f32
          %broadcast_in_dim3A_260 = vector.broadcast %jit3A_259 : f32 to vector<16xf32>
          %select_n3A_261 = arith.select %eq3A_258, %get3A_243, %broadcast_in_dim3A_260 : vector<16xi1>, vector<16xf32>
          %add3A_262 = arith.addf %add3A_237, %select_n3A_261 : vector<16xf32>
          %scan3A_263 = arith.constant 6 : i32
          %scan3A_264 = arith.addi %scan3A_116, %scan3A_263 : i32
          %get3A_265 = arith.index_cast %scan3A_264 : i32 to index
          %get3A_266 = arith.index_cast %mul3A_79 : i32 to index
          %get3A_267 = tpu.vector_load %arg10[%get3A_265, %get3A_266] {strides = array<i32>} : memref<32x1024xf32, #tpu.memory_space<vmem>>, vector<1x16xf32>,
          %get3A_268 = vector.shape_cast %get3A_267 : vector<1x16xf32> to vector<16xf32>
          %exp3A_269 = math.exp %get3A_268 : vector<16xf32>
          %add3A_270 = arith.addf %add3A_245, %exp3A_269 : vector<16xf32>
          %max3A_271 = arith.maximumf %max3A_246, %get3A_268 : vector<16xf32>
          %eq3A_272 = arith.constant 0.000000e+00 : f32
          %eq3A_273 = vector.broadcast %eq3A_272 : f32 to vector<16xf32>
          %eq3A_274 = arith.cmpf oeq, %get3A_268, %eq3A_273 : vector<16xf32>
          %jit3A_275 = arith.constant 1.000000e+00 : f32
          %jit3A_276 = arith.constant 0.000000e+00 : f32
          %broadcast_in_dim3A_277 = vector.broadcast %jit3A_275 : f32 to vector<16xf32>
          %broadcast_in_dim3A_278 = vector.broadcast %jit3A_276 : f32 to vector<16xf32>
          %select_n3A_279 = arith.select %eq3A_274, %broadcast_in_dim3A_277, %broadcast_in_dim3A_278 : vector<16xi1>, vector<16xf32>
          %add3A_280 = arith.addf %add3A_255, %select_n3A_279 : vector<16xf32>
          %add3A_281 = arith.addi %add3A_56, %scan3A_264 : i32
          %eq3A_282 = vector.broadcast %add3A_281 : i32 to vector<16xi32>
          %eq3A_283 = arith.cmpi eq, %get3A_81, %eq3A_282 : vector<16xi32>
          %jit3A_284 = arith.constant 0.000000e+00 : f32
          %broadcast_in_dim3A_285 = vector.broadcast %jit3A_284 : f32 to vector<16xf32>
          %select_n3A_286 = arith.select %eq3A_283, %get3A_268, %broadcast_in_dim3A_285 : vector<16xi1>, vector<16xf32>
          %add3A_287 = arith.addf %add3A_262, %select_n3A_286 : vector<16xf32>
          %scan3A_288 = arith.constant 7 : i32
          %scan3A_289 = arith.addi %scan3A_116, %scan3A_288 : i32
          %get3A_290 = arith.index_cast %scan3A_289 : i32 to index
          %get3A_291 = arith.index_cast %mul3A_79 : i32 to index
          %get3A_292 = tpu.vector_load %arg10[%get3A_290, %get3A_291] {strides = array<i32>} : memref<32x1024xf32, #tpu.memory_space<vmem>>, vector<1x16xf32>,
          %get3A_293 = vector.shape_cast %get3A_292 : vector<1x16xf32> to vector<16xf32>
          %exp3A_294 = math.exp %get3A_293 : vector<16xf32>
          %add3A_295 = arith.addf %add3A_270, %exp3A_294 : vector<16xf32>
          %max3A_296 = arith.maximumf %max3A_271, %get3A_293 : vector<16xf32>
          %eq3A_297 = arith.constant 0.000000e+00 : f32
          %eq3A_298 = vector.broadcast %eq3A_297 : f32 to vector<16xf32>
          %eq3A_299 = arith.cmpf oeq, %get3A_293, %eq3A_298 : vector<16xf32>
          %jit3A_300 = arith.constant 1.000000e+00 : f32
          %jit3A_301 = arith.constant 0.000000e+00 : f32
          %broadcast_in_dim3A_302 = vector.broadcast %jit3A_300 : f32 to vector<16xf32>
          %broadcast_in_dim3A_303 = vector.broadcast %jit3A_301 : f32 to vector<16xf32>
          %select_n3A_304 = arith.select %eq3A_299, %broadcast_in_dim3A_302, %broadcast_in_dim3A_303 : vector<16xi1>, vector<16xf32>
          %add3A_305 = arith.addf %add3A_280, %select_n3A_304 : vector<16xf32>
          %add3A_306 = arith.addi %add3A_56, %scan3A_289 : i32
          %eq3A_307 = vector.broadcast %add3A_306 : i32 to vector<16xi32>
          %eq3A_308 = arith.cmpi eq, %get3A_81, %eq3A_307 : vector<16xi32>
          %jit3A_309 = arith.constant 0.000000e+00 : f32
          %broadcast_in_dim3A_310 = vector.broadcast %jit3A_309 : f32 to vector<16xf32>
          %select_n3A_311 = arith.select %eq3A_308, %get3A_293, %broadcast_in_dim3A_310 : vector<16xi1>, vector<16xf32>
          %add3A_312 = arith.addf %add3A_287, %select_n3A_311 : vector<16xf32>
          scf.yield %add3A_295, %max3A_296, %add3A_305, %add3A_312 : vector<16xf32>, vector<16xf32>, vector<16xf32>, vector<16xf32>
        }
        %scan3A_99 = arith.constant 32 : i32
        %swap3A = arith.index_cast %mul3A_79 : i32 to index
        %swap3A_100 = tpu.vector_load %arg11[%swap3A] {strides = array<i32>} : memref<1024xf32, #tpu.memory_space<vmem>>, vector<16xf32>,
        %swap3A_101 = vector.shape_cast %swap3A_100 : vector<16xf32> to vector<16xf32>
        %swap3A_102 = vector.shape_cast %scan3A_98#0 : vector<16xf32> to vector<16xf32>
        tpu.vector_store %arg11[%swap3A], %swap3A_102 {strides = array<i32>} : memref<1024xf32, #tpu.memory_space<vmem>>, vector<16xf32>,
        %swap3A_103 = arith.index_cast %mul3A_79 : i32 to index
        %swap3A_104 = tpu.vector_load %arg12[%swap3A_103] {strides = array<i32>} : memref<1024xf32, #tpu.memory_space<vmem>>, vector<16xf32>,
        %swap3A_105 = vector.shape_cast %swap3A_104 : vector<16xf32> to vector<16xf32>
        %swap3A_106 = vector.shape_cast %scan3A_98#1 : vector<16xf32> to vector<16xf32>
        tpu.vector_store %arg12[%swap3A_103], %swap3A_106 {strides = array<i32>} : memref<1024xf32, #tpu.memory_space<vmem>>, vector<16xf32>,
        %swap3A_107 = arith.index_cast %mul3A_79 : i32 to index
        %swap3A_108 = tpu.vector_load %arg14[%swap3A_107] {strides = array<i32>} : memref<1024xf32, #tpu.memory_space<vmem>>, vector<16xf32>,
        %swap3A_109 = vector.shape_cast %swap3A_108 : vector<16xf32> to vector<16xf32>
        %swap3A_110 = vector.shape_cast %scan3A_98#2 : vector<16xf32> to vector<16xf32>
        tpu.vector_store %arg14[%swap3A_107], %swap3A_110 {strides = array<i32>} : memref<1024xf32, #tpu.memory_space<vmem>>, vector<16xf32>,
        %swap3A_111 = arith.index_cast %mul3A_79 : i32 to index
        %swap3A_112 = tpu.vector_load %arg13[%swap3A_111] {strides = array<i32>} : memref<1024xf32, #tpu.memory_space<vmem>>, vector<16xf32>,
        %swap3A_113 = vector.shape_cast %swap3A_112 : vector<16xf32> to vector<16xf32>
        %swap3A_114 = vector.shape_cast %scan3A_98#3 : vector<16xf32> to vector<16xf32>
        tpu.vector_store %arg13[%swap3A_111], %swap3A_114 {strides = array<i32>} : memref<1024xf32, #tpu.memory_space<vmem>>, vector<16xf32>,
        %scan3A_115 = arith.constant 0 : i32
        scf.yield %scan3A_115 : i32
      }
      %scan3A_67 = arith.constant 64 : i32
      %add3A_68 = arith.constant 2 : i32
      %add3A_69 = arith.addi %add3A_53, %add3A_68 : i32
      %lt3A_70 = arith.constant 32 : i32
      %lt3A_71 = arith.cmpi slt, %add3A_69, %lt3A_70 : i32
      %convert_element_type3A_72 = arith.extui %lt3A_71 : i1 to i32
      %cond3A_73 = arith.constant 0 : i32
      %cond3A_74 = arith.cmpi ne, %convert_element_type3A_72, %cond3A_73 : i32
      scf.if %cond3A_74 {
        %add3A_76 = arith.constant 64 : i32
        %add3A_77 = arith.addi %add3A_56, %add3A_76 : i32
        %dma_start3A_78 = arith.constant 0 : i32
        %dma_start3A_79 = tpu.memref_slice %arg2[%add3A_77, %dma_start3A_78] : memref<100000x1024xf32, #tpu.memory_space<hbm>> -> memref<32x1024xf32, #tpu.memory_space<hbm>>
        %dma_start3A_80 = arith.constant 0 : i32
        %dma_start3A_81 = tpu.memref_slice %arg2[%add3A_77, %dma_start3A_80] : memref<100000x1024xf32, #tpu.memory_space<hbm>> -> memref<32x1024xf32, #tpu.memory_space<hbm>>
        tpu.enqueue_dma source(%dma_start3A_81 : memref<32x1024xf32, #tpu.memory_space<hbm>>) target(%arg10 : memref<32x1024xf32, #tpu.memory_space<vmem>>) target_semaphore(%arg16 : memref<!tpu.dma_semaphore, #tpu.memory_space<semaphore_mem>>)
      } else {
      }
      %scan3A_75 = arith.constant 0 : i32
      scf.yield %scan3A_75 : i32
    }
    %scan3A_26 = arith.constant 16 : i32
    "tpu.region"() ({
      %run_scoped3A = tpu.sem_alloc : memref<!tpu.dma_semaphore, #tpu.memory_space<semaphore_mem>>
      %dma_start3A_27 = arith.constant 0 : i32
      %dma_start3A_28 = tpu.memref_slice %arg4[%add3A, %dma_start3A_27] : memref<32x1024xf32, #tpu.memory_space<hbm>> -> memref<1x1024xf32, #tpu.memory_space<hbm>>
      %dma_start3A_29 = tpu.memref_squeeze %dma_start3A_28 : memref<1x1024xf32, #tpu.memory_space<hbm>> -> memref<1024xf32, #tpu.memory_space<hbm>>
      %dma_start3A_30 = arith.constant 0 : i32
      %dma_start3A_31 = tpu.memref_slice %arg4[%add3A, %dma_start3A_30] : memref<32x1024xf32, #tpu.memory_space<hbm>> -> memref<1x1024xf32, #tpu.memory_space<hbm>>
      %dma_start3A_32 = tpu.memref_squeeze %dma_start3A_31 : memref<1x1024xf32, #tpu.memory_space<hbm>> -> memref<1024xf32, #tpu.memory_space<hbm>>
      tpu.enqueue_dma source(%arg11 : memref<1024xf32, #tpu.memory_space<vmem>>) target(%dma_start3A_32 : memref<1024xf32, #tpu.memory_space<hbm>>) target_semaphore(%run_scoped3A : memref<!tpu.dma_semaphore, #tpu.memory_space<semaphore_mem>>)
      %dma_wait3A = arith.constant 0 : i32
      %dma_wait3A_33 = tpu.memref_slice %arg4[%add3A, %dma_wait3A] : memref<32x1024xf32, #tpu.memory_space<hbm>> -> memref<1x1024xf32, #tpu.memory_space<hbm>>
      %dma_wait3A_34 = tpu.memref_squeeze %dma_wait3A_33 : memref<1x1024xf32, #tpu.memory_space<hbm>> -> memref<1024xf32, #tpu.memory_space<hbm>>
      %dma_wait3A_35 = arith.constant 0 : i32
      %dma_wait3A_36 = tpu.memref_slice %arg4[%add3A, %dma_wait3A_35] : memref<32x1024xf32, #tpu.memory_space<hbm>> -> memref<1x1024xf32, #tpu.memory_space<hbm>>
      %dma_wait3A_37 = tpu.memref_squeeze %dma_wait3A_36 : memref<1x1024xf32, #tpu.memory_space<hbm>> -> memref<1024xf32, #tpu.memory_space<hbm>>
      tpu.wait_dma2 semaphore(%run_scoped3A : memref<!tpu.dma_semaphore, #tpu.memory_space<semaphore_mem>>) src(%arg11 : memref<1024xf32, #tpu.memory_space<vmem>>) dst(%dma_wait3A_37 : memref<1024xf32, #tpu.memory_space<hbm>>)
      tpu.yield
    }) : () -> ()
    "tpu.region"() ({
      %run_scoped3A = tpu.sem_alloc : memref<!tpu.dma_semaphore, #tpu.memory_space<semaphore_mem>>
      %dma_start3A_27 = arith.constant 0 : i32
      %dma_start3A_28 = tpu.memref_slice %arg5[%add3A, %dma_start3A_27] : memref<32x1024xf32, #tpu.memory_space<hbm>> -> memref<1x1024xf32, #tpu.memory_space<hbm>>
      %dma_start3A_29 = tpu.memref_squeeze %dma_start3A_28 : memref<1x1024xf32, #tpu.memory_space<hbm>> -> memref<1024xf32, #tpu.memory_space<hbm>>
      %dma_start3A_30 = arith.constant 0 : i32
      %dma_start3A_31 = tpu.memref_slice %arg5[%add3A, %dma_start3A_30] : memref<32x1024xf32, #tpu.memory_space<hbm>> -> memref<1x1024xf32, #tpu.memory_space<hbm>>
      %dma_start3A_32 = tpu.memref_squeeze %dma_start3A_31 : memref<1x1024xf32, #tpu.memory_space<hbm>> -> memref<1024xf32, #tpu.memory_space<hbm>>
      tpu.enqueue_dma source(%arg12 : memref<1024xf32, #tpu.memory_space<vmem>>) target(%dma_start3A_32 : memref<1024xf32, #tpu.memory_space<hbm>>) target_semaphore(%run_scoped3A : memref<!tpu.dma_semaphore, #tpu.memory_space<semaphore_mem>>)
      %dma_wait3A = arith.constant 0 : i32
      %dma_wait3A_33 = tpu.memref_slice %arg5[%add3A, %dma_wait3A] : memref<32x1024xf32, #tpu.memory_space<hbm>> -> memref<1x1024xf32, #tpu.memory_space<hbm>>
      %dma_wait3A_34 = tpu.memref_squeeze %dma_wait3A_33 : memref<1x1024xf32, #tpu.memory_space<hbm>> -> memref<1024xf32, #tpu.memory_space<hbm>>
      %dma_wait3A_35 = arith.constant 0 : i32
      %dma_wait3A_36 = tpu.memref_slice %arg5[%add3A, %dma_wait3A_35] : memref<32x1024xf32, #tpu.memory_space<hbm>> -> memref<1x1024xf32, #tpu.memory_space<hbm>>
      %dma_wait3A_37 = tpu.memref_squeeze %dma_wait3A_36 : memref<1x1024xf32, #tpu.memory_space<hbm>> -> memref<1024xf32, #tpu.memory_space<hbm>>
      tpu.wait_dma2 semaphore(%run_scoped3A : memref<!tpu.dma_semaphore, #tpu.memory_space<semaphore_mem>>) src(%arg12 : memref<1024xf32, #tpu.memory_space<vmem>>) dst(%dma_wait3A_37 : memref<1024xf32, #tpu.memory_space<hbm>>)
      tpu.yield
    }) : () -> ()
    "tpu.region"() ({
      %run_scoped3A = tpu.sem_alloc : memref<!tpu.dma_semaphore, #tpu.memory_space<semaphore_mem>>
      %dma_start3A_27 = arith.constant 0 : i32
      %dma_start3A_28 = tpu.memref_slice %arg6[%add3A, %dma_start3A_27] : memref<32x1024xf32, #tpu.memory_space<hbm>> -> memref<1x1024xf32, #tpu.memory_space<hbm>>
      %dma_start3A_29 = tpu.memref_squeeze %dma_start3A_28 : memref<1x1024xf32, #tpu.memory_space<hbm>> -> memref<1024xf32, #tpu.memory_space<hbm>>
      %dma_start3A_30 = arith.constant 0 : i32
      %dma_start3A_31 = tpu.memref_slice %arg6[%add3A, %dma_start3A_30] : memref<32x1024xf32, #tpu.memory_space<hbm>> -> memref<1x1024xf32, #tpu.memory_space<hbm>>
      %dma_start3A_32 = tpu.memref_squeeze %dma_start3A_31 : memref<1x1024xf32, #tpu.memory_space<hbm>> -> memref<1024xf32, #tpu.memory_space<hbm>>
      tpu.enqueue_dma source(%arg13 : memref<1024xf32, #tpu.memory_space<vmem>>) target(%dma_start3A_32 : memref<1024xf32, #tpu.memory_space<hbm>>) target_semaphore(%run_scoped3A : memref<!tpu.dma_semaphore, #tpu.memory_space<semaphore_mem>>)
      %dma_wait3A = arith.constant 0 : i32
      %dma_wait3A_33 = tpu.memref_slice %arg6[%add3A, %dma_wait3A] : memref<32x1024xf32, #tpu.memory_space<hbm>> -> memref<1x1024xf32, #tpu.memory_space<hbm>>
      %dma_wait3A_34 = tpu.memref_squeeze %dma_wait3A_33 : memref<1x1024xf32, #tpu.memory_space<hbm>> -> memref<1024xf32, #tpu.memory_space<hbm>>
      %dma_wait3A_35 = arith.constant 0 : i32
      %dma_wait3A_36 = tpu.memref_slice %arg6[%add3A, %dma_wait3A_35] : memref<32x1024xf32, #tpu.memory_space<hbm>> -> memref<1x1024xf32, #tpu.memory_space<hbm>>
      %dma_wait3A_37 = tpu.memref_squeeze %dma_wait3A_36 : memref<1x1024xf32, #tpu.memory_space<hbm>> -> memref<1024xf32, #tpu.memory_space<hbm>>
      tpu.wait_dma2 semaphore(%run_scoped3A : memref<!tpu.dma_semaphore, #tpu.memory_space<semaphore_mem>>) src(%arg13 : memref<1024xf32, #tpu.memory_space<vmem>>) dst(%dma_wait3A_37 : memref<1024xf32, #tpu.memory_space<hbm>>)
      tpu.yield
    }) : () -> ()
    "tpu.region"() ({
      %run_scoped3A = tpu.sem_alloc : memref<!tpu.dma_semaphore, #tpu.memory_space<semaphore_mem>>
      %dma_start3A_27 = arith.constant 0 : i32
      %dma_start3A_28 = tpu.memref_slice %arg7[%add3A, %dma_start3A_27] : memref<32x1024xf32, #tpu.memory_space<hbm>> -> memref<1x1024xf32, #tpu.memory_space<hbm>>
      %dma_start3A_29 = tpu.memref_squeeze %dma_start3A_28 : memref<1x1024xf32, #tpu.memory_space<hbm>> -> memref<1024xf32, #tpu.memory_space<hbm>>
      %dma_start3A_30 = arith.constant 0 : i32
      %dma_start3A_31 = tpu.memref_slice %arg7[%add3A, %dma_start3A_30] : memref<32x1024xf32, #tpu.memory_space<hbm>> -> memref<1x1024xf32, #tpu.memory_space<hbm>>
      %dma_start3A_32 = tpu.memref_squeeze %dma_start3A_31 : memref<1x1024xf32, #tpu.memory_space<hbm>> -> memref<1024xf32, #tpu.memory_space<hbm>>
      tpu.enqueue_dma source(%arg14 : memref<1024xf32, #tpu.memory_space<vmem>>) target(%dma_start3A_32 : memref<1024xf32, #tpu.memory_space<hbm>>) target_semaphore(%run_scoped3A : memref<!tpu.dma_semaphore, #tpu.memory_space<semaphore_mem>>)
      %dma_wait3A = arith.constant 0 : i32
      %dma_wait3A_33 = tpu.memref_slice %arg7[%add3A, %dma_wait3A] : memref<32x1024xf32, #tpu.memory_space<hbm>> -> memref<1x1024xf32, #tpu.memory_space<hbm>>
      %dma_wait3A_34 = tpu.memref_squeeze %dma_wait3A_33 : memref<1x1024xf32, #tpu.memory_space<hbm>> -> memref<1024xf32, #tpu.memory_space<hbm>>
      %dma_wait3A_35 = arith.constant 0 : i32
      %dma_wait3A_36 = tpu.memref_slice %arg7[%add3A, %dma_wait3A_35] : memref<32x1024xf32, #tpu.memory_space<hbm>> -> memref<1x1024xf32, #tpu.memory_space<hbm>>
      %dma_wait3A_37 = tpu.memref_squeeze %dma_wait3A_36 : memref<1x1024xf32, #tpu.memory_space<hbm>> -> memref<1024xf32, #tpu.memory_space<hbm>>
      tpu.wait_dma2 semaphore(%run_scoped3A : memref<!tpu.dma_semaphore, #tpu.memory_space<semaphore_mem>>) src(%arg14 : memref<1024xf32, #tpu.memory_space<vmem>>) dst(%dma_wait3A_37 : memref<1024xf32, #tpu.memory_space<hbm>>)
      tpu.yield
    }) : () -> ()
    return
  }
}

module attributes {stable_mosaic.version = 14 : i64} {
  func.func @_combine_body(%arg0: memref<1x1024xf32, #tpu.memory_space<vmem>>, %arg1: memref<1x1024xf32, #tpu.memory_space<vmem>>, %arg2: memref<1x1024xf32, #tpu.memory_space<vmem>>, %arg3: memref<1x1024xf32, #tpu.memory_space<vmem>>, %arg4: memref<32x1024xf32, #tpu.memory_space<vmem>>, %arg5: memref<32x1024xf32, #tpu.memory_space<vmem>>, %arg6: memref<32x1024xf32, #tpu.memory_space<vmem>>, %arg7: memref<32x1024xf32, #tpu.memory_space<vmem>>, %arg8: memref<1x1xf32, #tpu.memory_space<vmem>>) attributes {dimension_semantics = [], scalar_prefetch = 0 : i64, scratch_operands = 0 : i64, tpu.core_type = #tpu.core_type<tc>} {
    %get3A = arith.constant 0 : index
    %get3A_0 = arith.constant 0 : index
    %get3A_1 = vector.load %arg0[%get3A, %get3A_0] : memref<1x1024xf32, #tpu.memory_space<vmem>>, vector<1x1024xf32>
    %get3A_2 = arith.constant 0 : index
    %get3A_3 = arith.constant 0 : index
    %get3A_4 = vector.load %arg4[%get3A_2, %get3A_3] : memref<32x1024xf32, #tpu.memory_space<vmem>>, vector<32x1024xf32>
    %reduce_sum3A = arith.constant dense<0.000000e+00> : vector<1024xf32>
    %reduce_sum3A_5 = vector.multi_reduction <add>, %get3A_4, %reduce_sum3A [0] : vector<32x1024xf32> to vector<1024xf32>
    %broadcast_in_dim3A = vector.shape_cast %reduce_sum3A_5 : vector<1024xf32> to vector<1x1024xf32>
    %add3A = arith.addf %get3A_1, %broadcast_in_dim3A : vector<1x1024xf32>
    %get3A_6 = arith.constant 0 : index
    %get3A_7 = arith.constant 0 : index
    %get3A_8 = vector.load %arg1[%get3A_6, %get3A_7] : memref<1x1024xf32, #tpu.memory_space<vmem>>, vector<1x1024xf32>
    %get3A_9 = arith.constant 0 : index
    %get3A_10 = arith.constant 0 : index
    %get3A_11 = vector.load %arg5[%get3A_9, %get3A_10] : memref<32x1024xf32, #tpu.memory_space<vmem>>, vector<32x1024xf32>
    %reduce_max3A = arith.constant dense<0xFF800000> : vector<1024xf32>
    %reduce_max3A_12 = vector.multi_reduction <maximumf>, %get3A_11, %reduce_max3A [0] : vector<32x1024xf32> to vector<1024xf32>
    %broadcast_in_dim3A_13 = vector.shape_cast %reduce_max3A_12 : vector<1024xf32> to vector<1x1024xf32>
    %max3A = arith.maximumf %get3A_8, %broadcast_in_dim3A_13 : vector<1x1024xf32>
    %get3A_14 = arith.constant 0 : index
    %get3A_15 = arith.constant 0 : index
    %get3A_16 = vector.load %arg2[%get3A_14, %get3A_15] : memref<1x1024xf32, #tpu.memory_space<vmem>>, vector<1x1024xf32>
    %get3A_17 = arith.constant 0 : index
    %get3A_18 = arith.constant 0 : index
    %get3A_19 = vector.load %arg6[%get3A_17, %get3A_18] : memref<32x1024xf32, #tpu.memory_space<vmem>>, vector<32x1024xf32>
    %reduce_sum3A_20 = arith.constant dense<0.000000e+00> : vector<1024xf32>
    %reduce_sum3A_21 = vector.multi_reduction <add>, %get3A_19, %reduce_sum3A_20 [0] : vector<32x1024xf32> to vector<1024xf32>
    %broadcast_in_dim3A_22 = vector.shape_cast %reduce_sum3A_21 : vector<1024xf32> to vector<1x1024xf32>
    %add3A_23 = arith.addf %get3A_16, %broadcast_in_dim3A_22 : vector<1x1024xf32>
    %get3A_24 = arith.constant 0 : index
    %get3A_25 = arith.constant 0 : index
    %get3A_26 = vector.load %arg3[%get3A_24, %get3A_25] : memref<1x1024xf32, #tpu.memory_space<vmem>>, vector<1x1024xf32>
    %get3A_27 = arith.constant 0 : index
    %get3A_28 = arith.constant 0 : index
    %get3A_29 = vector.load %arg7[%get3A_27, %get3A_28] : memref<32x1024xf32, #tpu.memory_space<vmem>>, vector<32x1024xf32>
    %reduce_sum3A_30 = arith.constant dense<0.000000e+00> : vector<1024xf32>
    %reduce_sum3A_31 = vector.multi_reduction <add>, %get3A_29, %reduce_sum3A_30 [0] : vector<32x1024xf32> to vector<1024xf32>
    %broadcast_in_dim3A_32 = vector.shape_cast %reduce_sum3A_31 : vector<1024xf32> to vector<1x1024xf32>
    %add3A_33 = arith.addf %get3A_26, %broadcast_in_dim3A_32 : vector<1x1024xf32>
    %exp3A = math.exp %max3A : vector<1x1024xf32>
    %mul3A = arith.constant 5.000000e-01 : f32
    %mul3A_34 = vector.broadcast %mul3A : f32 to vector<1x1024xf32>
    %mul3A_35 = arith.mulf %mul3A_34, %add3A : vector<1x1024xf32>
    %gt3A = arith.cmpf ogt, %exp3A, %mul3A_35 : vector<1x1024xf32>
    %eq3A = arith.cmpf oeq, %add3A_23, %max3A : vector<1x1024xf32>
    %and3A = arith.andi %gt3A, %eq3A : vector<1x1024xi1>
    %sub3A = arith.constant 1.000000e+00 : f32
    %sub3A_36 = vector.broadcast %sub3A : f32 to vector<1x1024xf32>
    %sub3A_37 = arith.subf %sub3A_36, %add3A_23 : vector<1x1024xf32>
    %select_n3A = arith.select %and3A, %sub3A_37, %add3A_23 : vector<1x1024xi1>, vector<1x1024xf32>
    %log3A = math.log %select_n3A : vector<1x1024xf32>
    %mul3A_38 = arith.constant -0.899999976 : f32
    %mul3A_39 = vector.broadcast %mul3A_38 : f32 to vector<1x1024xf32>
    %mul3A_40 = arith.mulf %mul3A_39, %log3A : vector<1x1024xf32>
    %not3A = arith.constant dense<true> : vector<1x1024xi1>
    %not3A_41 = arith.xori %and3A, %not3A : vector<1x1024xi1>
    %and3A_42 = arith.andi %gt3A, %not3A_41 : vector<1x1024xi1>
    %sub3A_43 = arith.constant 1.000000e+00 : f32
    %sub3A_44 = vector.broadcast %sub3A_43 : f32 to vector<1x1024xf32>
    %sub3A_45 = arith.subf %sub3A_44, %max3A : vector<1x1024xf32>
    %log3A_46 = math.log %sub3A_45 : vector<1x1024xf32>
    %mul3A_47 = arith.constant -1.000000e-01 : f32
    %mul3A_48 = vector.broadcast %mul3A_47 : f32 to vector<1x1024xf32>
    %mul3A_49 = arith.mulf %mul3A_48, %log3A_46 : vector<1x1024xf32>
    %jit3A = arith.constant 0.000000e+00 : f32
    %broadcast_in_dim3A_50 = vector.broadcast %jit3A : f32 to vector<1x1024xf32>
    %select_n3A_51 = arith.select %and3A_42, %mul3A_49, %broadcast_in_dim3A_50 : vector<1x1024xi1>, vector<1x1024xf32>
    %add3A_52 = arith.addf %mul3A_40, %select_n3A_51 : vector<1x1024xf32>
    %reduce_sum3A_53 = vector.shape_cast %add3A_52 : vector<1x1024xf32> to vector<1x1x1024xf32>
    %reduce_sum3A_54 = arith.constant dense<0.000000e+00> : vector<1xf32>
    %reduce_sum3A_55 = vector.multi_reduction <add>, %reduce_sum3A_53, %reduce_sum3A_54 [1, 2] : vector<1x1x1024xf32> to vector<1xf32>
    %reduce_sum3A_56 = vector.shape_cast %reduce_sum3A_55 : vector<1xf32> to vector<1x1x1xf32>
    %reduce_sum3A_57 = vector.extract %reduce_sum3A_56[0, 0, 0] : f32 from vector<1x1x1xf32>
    %div3A = arith.constant 1.024000e+03 : f32
    %div3A_58 = arith.divf %reduce_sum3A_57, %div3A : f32
    %eq3A_59 = arith.constant 0.000000e+00 : f32
    %eq3A_60 = vector.broadcast %eq3A_59 : f32 to vector<1x1024xf32>
    %eq3A_61 = arith.cmpf oeq, %add3A_23, %eq3A_60 : vector<1x1024xf32>
    %jit3A_62 = arith.constant 1.000000e+00 : f32
    %jit3A_63 = arith.constant 0.000000e+00 : f32
    %broadcast_in_dim3A_64 = vector.broadcast %jit3A_62 : f32 to vector<1x1024xf32>
    %broadcast_in_dim3A_65 = vector.broadcast %jit3A_63 : f32 to vector<1x1024xf32>
    %select_n3A_66 = arith.select %eq3A_61, %broadcast_in_dim3A_64, %broadcast_in_dim3A_65 : vector<1x1024xi1>, vector<1x1024xf32>
    %sub3A_67 = arith.subf %add3A_33, %select_n3A_66 : vector<1x1024xf32>
    %reduce_max3A_68 = vector.shape_cast %sub3A_67 : vector<1x1024xf32> to vector<1x1x1024xf32>
    %reduce_max3A_69 = arith.constant dense<0xFF800000> : vector<1xf32>
    %reduce_max3A_70 = vector.multi_reduction <maximumf>, %reduce_max3A_68, %reduce_max3A_69 [1, 2] : vector<1x1x1024xf32> to vector<1xf32>
    %reduce_max3A_71 = vector.shape_cast %reduce_max3A_70 : vector<1xf32> to vector<1x1x1xf32>
    %reduce_max3A_72 = vector.extract %reduce_max3A_71[0, 0, 0] : f32 from vector<1x1x1xf32>
    %gt3A_73 = arith.constant 0.000000e+00 : f32
    %gt3A_74 = arith.cmpf ogt, %reduce_max3A_72, %gt3A_73 : f32
    %jit3A_75 = arith.constant 0x7FC00000 : f32
    %select_n3A_76 = arith.select %gt3A_74, %jit3A_75, %div3A_58 : f32
    %broadcast_in_dim3A_77 = vector.broadcast %select_n3A_76 : f32 to vector<1x1xf32>
    %swap3A = arith.constant 0 : index
    %swap3A_78 = arith.constant 0 : index
    %swap3A_79 = vector.load %arg8[%swap3A, %swap3A_78] : memref<1x1xf32, #tpu.memory_space<vmem>>, vector<1x1xf32>
    tpu.vector_store %arg8[%swap3A, %swap3A_78], %broadcast_in_dim3A_77 {strides = array<i32>} : memref<1x1xf32, #tpu.memory_space<vmem>>, vector<1x1xf32>,
    return
  }
}

module attributes {stable_mosaic.version = 14 : i64} {
  func.func @_tc_body(%arg0: i32, %arg1: memref<1x1024xi32, #tpu.memory_space<vmem>>, %arg2: memref<2048x1024xf32, #tpu.memory_space<vmem>>, %arg3: memref<1x1024xf32, #tpu.memory_space<vmem>>, %arg4: memref<1x1024xf32, #tpu.memory_space<vmem>>, %arg5: memref<1x1024xf32, #tpu.memory_space<vmem>>, %arg6: memref<1x1024xf32, #tpu.memory_space<vmem>>, %arg7: memref<1x1024xf32, #tpu.memory_space<vmem>>, %arg8: memref<1x1024xf32, #tpu.memory_space<vmem>>, %arg9: memref<1x1024xf32, #tpu.memory_space<vmem>>, %arg10: memref<1x1024xf32, #tpu.memory_space<vmem>>) attributes {dimension_semantics = [#tpu.dimension_semantics<arbitrary>], iteration_bounds = array<i64: 33>, scalar_prefetch = 0 : i64, scratch_operands = 4 : i64, tpu.core_type = #tpu.core_type<tc>, window_params = [{pipeline_mode = #tpu.pipeline_mode<synchronous>, transform_indices = @transform_0, window_bounds = array<i64: 1, 1024>}, {transform_indices = @transform_1, window_bounds = array<i64: 2048, 1024>}, {pipeline_mode = #tpu.pipeline_mode<synchronous>, transform_indices = @transform_2, window_bounds = array<i64: 1, 1024>}, {pipeline_mode = #tpu.pipeline_mode<synchronous>, transform_indices = @transform_3, window_bounds = array<i64: 1, 1024>}, {pipeline_mode = #tpu.pipeline_mode<synchronous>, transform_indices = @transform_4, window_bounds = array<i64: 1, 1024>}, {pipeline_mode = #tpu.pipeline_mode<synchronous>, transform_indices = @transform_5, window_bounds = array<i64: 1, 1024>}]} {
    %eq3A = arith.constant 0 : i32
    %eq3A_0 = arith.cmpi eq, %arg0, %eq3A : i32
    %convert_element_type3A = arith.extui %eq3A_0 : i1 to i32
    %cond3A = arith.constant 0 : i32
    %cond3A_1 = arith.cmpi ne, %convert_element_type3A, %cond3A : i32
    scf.if %cond3A_1 {
      %broadcast_in_dim3A = arith.constant 0.000000e+00 : f32
      %broadcast_in_dim3A_13 = vector.broadcast %broadcast_in_dim3A : f32 to vector<1x1024xf32>
      %swap3A = arith.constant 0 : index
      %swap3A_14 = arith.constant 0 : index
      %swap3A_15 = vector.load %arg7[%swap3A, %swap3A_14] : memref<1x1024xf32, #tpu.memory_space<vmem>>, vector<1x1024xf32>
      tpu.vector_store %arg7[%swap3A, %swap3A_14], %broadcast_in_dim3A_13 {strides = array<i32>} : memref<1x1024xf32, #tpu.memory_space<vmem>>, vector<1x1024xf32>,
      %broadcast_in_dim3A_16 = arith.constant 0xFF800000 : f32
      %broadcast_in_dim3A_17 = vector.broadcast %broadcast_in_dim3A_16 : f32 to vector<1x1024xf32>
      %swap3A_18 = arith.constant 0 : index
      %swap3A_19 = arith.constant 0 : index
      %swap3A_20 = vector.load %arg8[%swap3A_18, %swap3A_19] : memref<1x1024xf32, #tpu.memory_space<vmem>>, vector<1x1024xf32>
      tpu.vector_store %arg8[%swap3A_18, %swap3A_19], %broadcast_in_dim3A_17 {strides = array<i32>} : memref<1x1024xf32, #tpu.memory_space<vmem>>, vector<1x1024xf32>,
      %broadcast_in_dim3A_21 = arith.constant 0.000000e+00 : f32
      %broadcast_in_dim3A_22 = vector.broadcast %broadcast_in_dim3A_21 : f32 to vector<1x1024xf32>
      %swap3A_23 = arith.constant 0 : index
      %swap3A_24 = arith.constant 0 : index
      %swap3A_25 = vector.load %arg9[%swap3A_23, %swap3A_24] : memref<1x1024xf32, #tpu.memory_space<vmem>>, vector<1x1024xf32>
      tpu.vector_store %arg9[%swap3A_23, %swap3A_24], %broadcast_in_dim3A_22 {strides = array<i32>} : memref<1x1024xf32, #tpu.memory_space<vmem>>, vector<1x1024xf32>,
      %broadcast_in_dim3A_26 = arith.constant 0.000000e+00 : f32
      %broadcast_in_dim3A_27 = vector.broadcast %broadcast_in_dim3A_26 : f32 to vector<1x1024xf32>
      %swap3A_28 = arith.constant 0 : index
      %swap3A_29 = arith.constant 0 : index
      %swap3A_30 = vector.load %arg10[%swap3A_28, %swap3A_29] : memref<1x1024xf32, #tpu.memory_space<vmem>>, vector<1x1024xf32>
      tpu.vector_store %arg10[%swap3A_28, %swap3A_29], %broadcast_in_dim3A_27 {strides = array<i32>} : memref<1x1024xf32, #tpu.memory_space<vmem>>, vector<1x1024xf32>,
    } else {
    }
    %get3A = arith.constant 0 : index
    %get3A_2 = arith.constant 0 : index
    %get3A_3 = vector.load %arg1[%get3A, %get3A_2] : memref<1x1024xi32, #tpu.memory_space<vmem>>, vector<1x1024xi32>
    %lt3A = arith.constant 32 : i32
    %lt3A_4 = arith.cmpi slt, %arg0, %lt3A : i32
    %convert_element_type3A_5 = arith.extui %lt3A_4 : i1 to i32
    %cond3A_6 = arith.constant 0 : i32
    %cond3A_7 = arith.cmpi ne, %convert_element_type3A_5, %cond3A_6 : i32
    scf.if %cond3A_7 {
      %get3A_13 = arith.constant 0 : index
      %get3A_14 = arith.constant 0 : index
      %get3A_15 = vector.load %arg2[%get3A_13, %get3A_14] : memref<2048x1024xf32, #tpu.memory_space<vmem>>, vector<2048x1024xf32>
      %add3A = arith.constant 16 : i32
      %add3A_16 = arith.addi %arg0, %add3A : i32
      %mul3A = arith.constant 2048 : i32
      %mul3A_17 = arith.muli %add3A_16, %mul3A : i32
      %iota3A = tpu.iota {dimensions = array<i32: 0>} : vector<2048x1024xi32>
      %add3A_18 = vector.broadcast %mul3A_17 : i32 to vector<2048x1024xi32>
      %add3A_19 = arith.addi %add3A_18, %iota3A : vector<2048x1024xi32>
      %eq3A_20 = vector.broadcast %get3A_3 : vector<1x1024xi32> to vector<2048x1024xi32>
      %eq3A_21 = arith.cmpi eq, %add3A_19, %eq3A_20 : vector<2048x1024xi32>
      %get3A_22 = arith.constant 0 : index
      %get3A_23 = arith.constant 0 : index
      %get3A_24 = vector.load %arg9[%get3A_22, %get3A_23] : memref<1x1024xf32, #tpu.memory_space<vmem>>, vector<1x1024xf32>
      %jit3A = arith.constant 0.000000e+00 : f32
      %broadcast_in_dim3A = vector.broadcast %jit3A : f32 to vector<2048x1024xf32>
      %select_n3A = arith.select %eq3A_21, %get3A_15, %broadcast_in_dim3A : vector<2048x1024xi1>, vector<2048x1024xf32>
      %reduce_sum3A = arith.constant dense<0.000000e+00> : vector<1024xf32>
      %reduce_sum3A_25 = vector.multi_reduction <add>, %select_n3A, %reduce_sum3A [0] : vector<2048x1024xf32> to vector<1024xf32>
      %broadcast_in_dim3A_26 = vector.shape_cast %reduce_sum3A_25 : vector<1024xf32> to vector<1x1024xf32>
      %add3A_27 = arith.addf %get3A_24, %broadcast_in_dim3A_26 : vector<1x1024xf32>
      %swap3A = arith.constant 0 : index
      %swap3A_28 = arith.constant 0 : index
      %swap3A_29 = vector.load %arg9[%swap3A, %swap3A_28] : memref<1x1024xf32, #tpu.memory_space<vmem>>, vector<1x1024xf32>
      tpu.vector_store %arg9[%swap3A, %swap3A_28], %add3A_27 {strides = array<i32>} : memref<1x1024xf32, #tpu.memory_space<vmem>>, vector<1x1024xf32>,
      %get3A_30 = arith.constant 0 : index
      %get3A_31 = arith.constant 0 : index
      %get3A_32 = vector.load %arg7[%get3A_30, %get3A_31] : memref<1x1024xf32, #tpu.memory_space<vmem>>, vector<1x1024xf32>
      %exp3A = math.exp %get3A_15 : vector<2048x1024xf32>
      %reduce_sum3A_33 = arith.constant dense<0.000000e+00> : vector<1024xf32>
      %reduce_sum3A_34 = vector.multi_reduction <add>, %exp3A, %reduce_sum3A_33 [0] : vector<2048x1024xf32> to vector<1024xf32>
      %broadcast_in_dim3A_35 = vector.shape_cast %reduce_sum3A_34 : vector<1024xf32> to vector<1x1024xf32>
      %add3A_36 = arith.addf %get3A_32, %broadcast_in_dim3A_35 : vector<1x1024xf32>
      %swap3A_37 = arith.constant 0 : index
      %swap3A_38 = arith.constant 0 : index
      %swap3A_39 = vector.load %arg7[%swap3A_37, %swap3A_38] : memref<1x1024xf32, #tpu.memory_space<vmem>>, vector<1x1024xf32>
      tpu.vector_store %arg7[%swap3A_37, %swap3A_38], %add3A_36 {strides = array<i32>} : memref<1x1024xf32, #tpu.memory_space<vmem>>, vector<1x1024xf32>,
      %get3A_40 = arith.constant 0 : index
      %get3A_41 = arith.constant 0 : index
      %get3A_42 = vector.load %arg8[%get3A_40, %get3A_41] : memref<1x1024xf32, #tpu.memory_space<vmem>>, vector<1x1024xf32>
      %reduce_max3A = arith.constant dense<0xFF800000> : vector<1024xf32>
      %reduce_max3A_43 = vector.multi_reduction <maximumf>, %get3A_15, %reduce_max3A [0] : vector<2048x1024xf32> to vector<1024xf32>
      %broadcast_in_dim3A_44 = vector.shape_cast %reduce_max3A_43 : vector<1024xf32> to vector<1x1024xf32>
      %max3A = arith.maximumf %get3A_42, %broadcast_in_dim3A_44 : vector<1x1024xf32>
      %swap3A_45 = arith.constant 0 : index
      %swap3A_46 = arith.constant 0 : index
      %swap3A_47 = vector.load %arg8[%swap3A_45, %swap3A_46] : memref<1x1024xf32, #tpu.memory_space<vmem>>, vector<1x1024xf32>
      tpu.vector_store %arg8[%swap3A_45, %swap3A_46], %max3A {strides = array<i32>} : memref<1x1024xf32, #tpu.memory_space<vmem>>, vector<1x1024xf32>,
      %get3A_48 = arith.constant 0 : index
      %get3A_49 = arith.constant 0 : index
      %get3A_50 = vector.load %arg10[%get3A_48, %get3A_49] : memref<1x1024xf32, #tpu.memory_space<vmem>>, vector<1x1024xf32>
      %eq3A_51 = arith.constant 0.000000e+00 : f32
      %eq3A_52 = vector.broadcast %eq3A_51 : f32 to vector<2048x1024xf32>
      %eq3A_53 = arith.cmpf oeq, %get3A_15, %eq3A_52 : vector<2048x1024xf32>
      %jit3A_54 = arith.constant 1.000000e+00 : f32
      %jit3A_55 = arith.constant 0.000000e+00 : f32
      %broadcast_in_dim3A_56 = vector.broadcast %jit3A_54 : f32 to vector<2048x1024xf32>
      %broadcast_in_dim3A_57 = vector.broadcast %jit3A_55 : f32 to vector<2048x1024xf32>
      %select_n3A_58 = arith.select %eq3A_53, %broadcast_in_dim3A_56, %broadcast_in_dim3A_57 : vector<2048x1024xi1>, vector<2048x1024xf32>
      %reduce_sum3A_59 = arith.constant dense<0.000000e+00> : vector<1024xf32>
      %reduce_sum3A_60 = vector.multi_reduction <add>, %select_n3A_58, %reduce_sum3A_59 [0] : vector<2048x1024xf32> to vector<1024xf32>
      %broadcast_in_dim3A_61 = vector.shape_cast %reduce_sum3A_60 : vector<1024xf32> to vector<1x1024xf32>
      %add3A_62 = arith.addf %get3A_50, %broadcast_in_dim3A_61 : vector<1x1024xf32>
      %swap3A_63 = arith.constant 0 : index
      %swap3A_64 = arith.constant 0 : index
      %swap3A_65 = vector.load %arg10[%swap3A_63, %swap3A_64] : memref<1x1024xf32, #tpu.memory_space<vmem>>, vector<1x1024xf32>
      tpu.vector_store %arg10[%swap3A_63, %swap3A_64], %add3A_62 {strides = array<i32>} : memref<1x1024xf32, #tpu.memory_space<vmem>>, vector<1x1024xf32>,
    } else {
    }
    %eq3A_8 = arith.constant 32 : i32
    %eq3A_9 = arith.cmpi eq, %arg0, %eq3A_8 : i32
    %convert_element_type3A_10 = arith.extui %eq3A_9 : i1 to i32
    %cond3A_11 = arith.constant 0 : i32
    %cond3A_12 = arith.cmpi ne, %convert_element_type3A_10, %cond3A_11 : i32
    scf.if %cond3A_12 {
      %get3A_13 = arith.constant 0 : index
      %get3A_14 = arith.constant 0 : index
      %get3A_15 = vector.load %arg2[%get3A_13, %get3A_14] : memref<2048x1024xf32, #tpu.memory_space<vmem>>, vector<2048x1024xf32>
      %add3A = arith.constant 16 : i32
      %add3A_16 = arith.addi %arg0, %add3A : i32
      %mul3A = arith.constant 2048 : i32
      %mul3A_17 = arith.muli %add3A_16, %mul3A : i32
      %iota3A = tpu.iota {dimensions = array<i32: 0>} : vector<2048x1024xi32>
      %add3A_18 = vector.broadcast %mul3A_17 : i32 to vector<2048x1024xi32>
      %add3A_19 = arith.addi %add3A_18, %iota3A : vector<2048x1024xi32>
      %lt3A_20 = arith.constant 100000 : i32
      %lt3A_21 = vector.broadcast %lt3A_20 : i32 to vector<2048x1024xi32>
      %lt3A_22 = arith.cmpi slt, %add3A_19, %lt3A_21 : vector<2048x1024xi32>
      %jit3A = arith.constant 0xFF800000 : f32
      %broadcast_in_dim3A = vector.broadcast %jit3A : f32 to vector<2048x1024xf32>
      %select_n3A = arith.select %lt3A_22, %get3A_15, %broadcast_in_dim3A : vector<2048x1024xi1>, vector<2048x1024xf32>
      %eq3A_23 = vector.broadcast %get3A_3 : vector<1x1024xi32> to vector<2048x1024xi32>
      %eq3A_24 = arith.cmpi eq, %add3A_19, %eq3A_23 : vector<2048x1024xi32>
      %get3A_25 = arith.constant 0 : index
      %get3A_26 = arith.constant 0 : index
      %get3A_27 = vector.load %arg9[%get3A_25, %get3A_26] : memref<1x1024xf32, #tpu.memory_space<vmem>>, vector<1x1024xf32>
      %jit3A_28 = arith.constant 0.000000e+00 : f32
      %broadcast_in_dim3A_29 = vector.broadcast %jit3A_28 : f32 to vector<2048x1024xf32>
      %select_n3A_30 = arith.select %eq3A_24, %get3A_15, %broadcast_in_dim3A_29 : vector<2048x1024xi1>, vector<2048x1024xf32>
      %reduce_sum3A = arith.constant dense<0.000000e+00> : vector<1024xf32>
      %reduce_sum3A_31 = vector.multi_reduction <add>, %select_n3A_30, %reduce_sum3A [0] : vector<2048x1024xf32> to vector<1024xf32>
      %broadcast_in_dim3A_32 = vector.shape_cast %reduce_sum3A_31 : vector<1024xf32> to vector<1x1024xf32>
      %add3A_33 = arith.addf %get3A_27, %broadcast_in_dim3A_32 : vector<1x1024xf32>
      %swap3A = arith.constant 0 : index
      %swap3A_34 = arith.constant 0 : index
      %swap3A_35 = vector.load %arg5[%swap3A, %swap3A_34] : memref<1x1024xf32, #tpu.memory_space<vmem>>, vector<1x1024xf32>
      tpu.vector_store %arg5[%swap3A, %swap3A_34], %add3A_33 {strides = array<i32>} : memref<1x1024xf32, #tpu.memory_space<vmem>>, vector<1x1024xf32>,
      %get3A_36 = arith.constant 0 : index
      %get3A_37 = arith.constant 0 : index
      %get3A_38 = vector.load %arg7[%get3A_36, %get3A_37] : memref<1x1024xf32, #tpu.memory_space<vmem>>, vector<1x1024xf32>
      %exp3A = math.exp %select_n3A : vector<2048x1024xf32>
      %reduce_sum3A_39 = arith.constant dense<0.000000e+00> : vector<1024xf32>
      %reduce_sum3A_40 = vector.multi_reduction <add>, %exp3A, %reduce_sum3A_39 [0] : vector<2048x1024xf32> to vector<1024xf32>
      %broadcast_in_dim3A_41 = vector.shape_cast %reduce_sum3A_40 : vector<1024xf32> to vector<1x1024xf32>
      %add3A_42 = arith.addf %get3A_38, %broadcast_in_dim3A_41 : vector<1x1024xf32>
      %swap3A_43 = arith.constant 0 : index
      %swap3A_44 = arith.constant 0 : index
      %swap3A_45 = vector.load %arg3[%swap3A_43, %swap3A_44] : memref<1x1024xf32, #tpu.memory_space<vmem>>, vector<1x1024xf32>
      tpu.vector_store %arg3[%swap3A_43, %swap3A_44], %add3A_42 {strides = array<i32>} : memref<1x1024xf32, #tpu.memory_space<vmem>>, vector<1x1024xf32>,
      %get3A_46 = arith.constant 0 : index
      %get3A_47 = arith.constant 0 : index
      %get3A_48 = vector.load %arg8[%get3A_46, %get3A_47] : memref<1x1024xf32, #tpu.memory_space<vmem>>, vector<1x1024xf32>
      %reduce_max3A = arith.constant dense<0xFF800000> : vector<1024xf32>
      %reduce_max3A_49 = vector.multi_reduction <maximumf>, %select_n3A, %reduce_max3A [0] : vector<2048x1024xf32> to vector<1024xf32>
      %broadcast_in_dim3A_50 = vector.shape_cast %reduce_max3A_49 : vector<1024xf32> to vector<1x1024xf32>
      %max3A = arith.maximumf %get3A_48, %broadcast_in_dim3A_50 : vector<1x1024xf32>
      %swap3A_51 = arith.constant 0 : index
      %swap3A_52 = arith.constant 0 : index
      %swap3A_53 = vector.load %arg4[%swap3A_51, %swap3A_52] : memref<1x1024xf32, #tpu.memory_space<vmem>>, vector<1x1024xf32>
      tpu.vector_store %arg4[%swap3A_51, %swap3A_52], %max3A {strides = array<i32>} : memref<1x1024xf32, #tpu.memory_space<vmem>>, vector<1x1024xf32>,
      %get3A_54 = arith.constant 0 : index
      %get3A_55 = arith.constant 0 : index
      %get3A_56 = vector.load %arg10[%get3A_54, %get3A_55] : memref<1x1024xf32, #tpu.memory_space<vmem>>, vector<1x1024xf32>
      %eq3A_57 = arith.constant 0.000000e+00 : f32
      %eq3A_58 = vector.broadcast %eq3A_57 : f32 to vector<2048x1024xf32>
      %eq3A_59 = arith.cmpf oeq, %get3A_15, %eq3A_58 : vector<2048x1024xf32>
      %and3A = arith.andi %lt3A_22, %eq3A_59 : vector<2048x1024xi1>
      %jit3A_60 = arith.constant 1.000000e+00 : f32
      %jit3A_61 = arith.constant 0.000000e+00 : f32
      %broadcast_in_dim3A_62 = vector.broadcast %jit3A_60 : f32 to vector<2048x1024xf32>
      %broadcast_in_dim3A_63 = vector.broadcast %jit3A_61 : f32 to vector<2048x1024xf32>
      %select_n3A_64 = arith.select %and3A, %broadcast_in_dim3A_62, %broadcast_in_dim3A_63 : vector<2048x1024xi1>, vector<2048x1024xf32>
      %reduce_sum3A_65 = arith.constant dense<0.000000e+00> : vector<1024xf32>
      %reduce_sum3A_66 = vector.multi_reduction <add>, %select_n3A_64, %reduce_sum3A_65 [0] : vector<2048x1024xf32> to vector<1024xf32>
      %broadcast_in_dim3A_67 = vector.shape_cast %reduce_sum3A_66 : vector<1024xf32> to vector<1x1024xf32>
      %add3A_68 = arith.addf %get3A_56, %broadcast_in_dim3A_67 : vector<1x1024xf32>
      %swap3A_69 = arith.constant 0 : index
      %swap3A_70 = arith.constant 0 : index
      %swap3A_71 = vector.load %arg6[%swap3A_69, %swap3A_70] : memref<1x1024xf32, #tpu.memory_space<vmem>>, vector<1x1024xf32>
      tpu.vector_store %arg6[%swap3A_69, %swap3A_70], %add3A_68 {strides = array<i32>} : memref<1x1024xf32, #tpu.memory_space<vmem>>, vector<1x1024xf32>,
    } else {
    }
    return
  }
  func.func @transform_0(%arg0: i32) -> (i32, i32) {
    %c0_i32 = arith.constant 0 : i32
    %c0_i32_0 = arith.constant 0 : i32
    %c0_i32_1 = arith.constant 0 : i32
    return %c0_i32, %c0_i32_0 : i32, i32
  }
  func.func @transform_1(%arg0: i32) -> (i32, i32) {
    %add3A = arith.constant 16 : i32
    %add3A_0 = arith.addi %arg0, %add3A : i32
    %c0_i32 = arith.constant 0 : i32
    %c0_i32_1 = arith.constant 0 : i32
    return %add3A_0, %c0_i32 : i32, i32
  }
  func.func @transform_2(%arg0: i32) -> (i32, i32) {
    %c0_i32 = arith.constant 0 : i32
    %c0_i32_0 = arith.constant 0 : i32
    %c0_i32_1 = arith.constant 0 : i32
    return %c0_i32, %c0_i32_0 : i32, i32
  }
  func.func @transform_3(%arg0: i32) -> (i32, i32) {
    %c0_i32 = arith.constant 0 : i32
    %c0_i32_0 = arith.constant 0 : i32
    %c0_i32_1 = arith.constant 0 : i32
    return %c0_i32, %c0_i32_0 : i32, i32
  }
  func.func @transform_4(%arg0: i32) -> (i32, i32) {
    %c0_i32 = arith.constant 0 : i32
    %c0_i32_0 = arith.constant 0 : i32
    %c0_i32_1 = arith.constant 0 : i32
    return %c0_i32, %c0_i32_0 : i32, i32
  }
  func.func @transform_5(%arg0: i32) -> (i32, i32) {
    %c0_i32 = arith.constant 0 : i32
    %c0_i32_0 = arith.constant 0 : i32
    %c0_i32_1 = arith.constant 0 : i32
    return %c0_i32, %c0_i32_0 : i32, i32
  }
}

</mosaic_0001>

<sc_bundles>
// kernel: kernel.5.cloned.1.call-start
scs
__scs_entry_jumppad:
0x0: {  	(pc) =	sbr.rel $0x88, $3  }
0x1: {  	(tag) =	ssettag $0x0;
	lr =	simm.s32 $0x1  }
0x2: {  	[smem:$0x3F9F] =	sst lr;
	_ =	strace $0xD0000000  }
0x3: {  	_ = 	snop  }
0x4: {  	_ = 	snop  }
0x5: {  	_ = 	snop  }
0x6: {  	_ = 	snop  }
0x7: {  	_ = 	snop  }
__scs_overlays_trampoline_lowered:
0x8: {  	[smem:$0x3FAE] =	sst s0  }
0x9: {  	[smem:$0x3FAF] =	sst s1  }
0xa: {  	[smem:$0x3FB0] =	sst s2  }
0xb: {  	[smem:$0x3FB1] =	sst s3  }
0xc: {  	[smem:$0x3FB2] =	sst s4  }
0xd: {  	[smem:$0x3FB3] =	sst s5  }
0xe: {  	[smem:$0x3FB4] =	sst s6  }
0xf: {  	[smem:$0x3FB5] =	sst s7  }
0x10: {  	[smem:$0x3FB6] =	sst s8  }
0x11: {  	[smem:$0x3FB7] =	sst s9;
	s0 =	simm.s32 @!p0 $0x0  }
0x12: {  	s1 =	sld [smem:$0x3F9D];
	s0 =	simm.s32 @p0 $0x1  }
0x13: {  	[smem:$0x3FB8] =	sst s0;
	s0 =	simm.s32 @!p1 $0x0  }
0x14: {  	s2 =	sld [smem:$0x3F9C];
	s0 =	simm.s32 @p1 $0x1  }
0x15: {  	[smem:$0x3FB9] =	sst s0;
	s0 =	simm.s32 @!p2 $0x0  }
0x16: {  	s3 =	sld [smem:$0x3FDB];
	s0 =	simm.s32 @p2 $0x1  }
0x17: {  	s4 =	simm.s32 $0x1BF5;
	[smem:$0x3FBB] =	sst s0  }
0x18: {  	s0 =	sld [smem:$0x3F9E];
	_ =	swait.ge [sflag:s4], $0x0  }
0x19: {  	s7 =	sld [smem:$0x3F9F]  }
0x1a: {  	s8 =	sadd.s32 $0xFFFFE003, lr  }
0x1b: {  	s9 =	sadd.s32 $0xFFFFFEF7, lr;
	s5 =	simm.s32 $0xFFFFFFFF;
	p2 =	slt.u32 s8, $0xFFFFF086  }
0x1c: {  	p1 =	slt.u32 s9, $0xF7A;
	s5 =	simm.s32 @!p2 $0x0  }
0x1d: {  	s5 =	simm.s32 @p1 $0x1;
	p0 =	seq.s32 s7, s2  }
0x1e: {  	s7 =	smul.u32 @!p0 $0xF7A, s2;
	p2 =	seq.s32 @!p0 s5, $0x0  }
0x1f: {  	s9 =	smul.u32 $0xF7A, s1;
	s8 =	simm.s32 @!p0 $0x1BF5;
	p2 =	por !p2, p0  }
0x20: {  	[sflag:s8] =	ssyncset.s32 @!p0 $0xFFFFF086;
	s6 =	sadd.s32 @!p0 s3, s7;
	s7 =	simm.s32 @!p0 $0x108  }
0x21: {  	s3 =	sadd.s32 s3, s9;
	s6 =	sadd.s32 @!p0 $0x88, s6;
	s7 =	simm.s32 @p2 $0x1082  }
0x22: {  	[simem:s7], [sflag:s8] =	dma.local @!p0 [hbm:s6], $0xF7A  }
0x23: {  	s9 =	sor.u32 $0xD0000000, s2;
	s6 =	simm.s32 $0x108;
	_ =	swait.ge @!p0 [sflag:s8], $0x0  }
0x24: {  	s3 =	sadd.s32 $0x88, s3;
	s6 =	simm.s32 @!p1 $0x1082;
	[sflag:s4] =	ssyncset.s32 $0xFFFFF086  }
0x25: {  	[simem:s6], [sflag:s4] =	dma.local [hbm:s3], $0xF7A  }
0x26: {  	[smem:$0x3F9F] =	sst s1;
	(tag) =	ssettag s2;
	_ =	strace s9  }
0x27: {  	s1 =	sld [smem:$0x3FAF]  }
0x28: {  	s2 =	sld [smem:$0x3FB0]  }
0x29: {  	s4 =	sld [smem:$0x3FB2]  }
0x2a: {  	p0 =	seq.s32 s5, $0x0;
	s5 =	sld [smem:$0x3FB3]  }
0x2b: {  	s6 =	sld [smem:$0x3FB4]  }
0x2c: {  	s7 =	sld [smem:$0x3FB5]  }
0x2d: {  	s3 =	simm.s32 $0x108;
	s8 =	sld [smem:$0x3FB6]  }
0x2e: {  	s3 =	simm.s32 @!p0 $0x1082;
	s9 =	sld [smem:$0x3FB7]  }
0x2f: {  	lr =	sadd.s32 s0, s3;
	s0 =	sld [smem:$0x3FAE]  }
0x30: {  	s3 =	sld [smem:$0x3FB1]  }
0x31: {  	[smem:$0x3FBA] =	sst s10  }
0x32: {  	s10 =	sld [smem:$0x3FB8];
	_ =	sdelay $0x3  }
0x33: {  	p0 =	seq.s32 s10, $0x1;
	s10 =	sld [smem:$0x3FBA];
	_ =	sdelay $0x3  }
0x34: {  	[smem:$0x3FBA] =	sst s10  }
0x35: {  	s10 =	sld [smem:$0x3FB9];
	_ =	sdelay $0x3  }
0x36: {  	p1 =	seq.s32 s10, $0x1;
	s10 =	sld [smem:$0x3FBA];
	_ =	sdelay $0x3  }
0x37: {  	[smem:$0x3FBA] =	sst s10  }
0x38: {  	s10 =	sld [smem:$0x3FBB]  }
0x39: {  	_ = 	snop;
	(pc) =	sbr.ind lr, $3  }
0x3a: {  	_ = 	snop  }
0x3b: {  	_ = 	snop  }
0x3c: {  	p2 =	seq.s32 s10, $0x1;
	s10 =	sld [smem:$0x3FBA]  }
0x3d: {  	_ =	shalt  }
0x3e: {  	_ =	shalt  }
0x3f: {  	_ =	shalt  }
0x40: {  	_ =	shalt  }
0x41: {  	_ =	shalt  }
0x42: {  	_ =	shalt  }
0x43: {  	_ =	shalt  }
0x44: {  	_ =	shalt  }
0x45: {  	_ =	shalt  }
0x46: {  	_ =	shalt  }
0x47: {  	_ =	shalt  }
0x48: {  	_ =	shalt  }
0x49: {  	_ =	shalt  }
0x4a: {  	_ =	shalt  }
0x4b: {  	_ =	shalt  }
0x4c: {  	_ =	shalt  }
0x4d: {  	_ =	shalt  }
0x4e: {  	_ =	shalt  }
0x4f: {  	_ =	shalt  }
0x50: {  	_ =	shalt  }
0x51: {  	_ =	shalt  }
0x52: {  	_ =	shalt  }
0x53: {  	_ =	shalt  }
0x54: {  	_ =	shalt  }
0x55: {  	_ =	shalt  }
0x56: {  	_ =	shalt  }
0x57: {  	_ =	shalt  }
0x58: {  	_ =	shalt  }
0x59: {  	_ =	shalt  }
0x5a: {  	_ =	shalt  }
0x5b: {  	_ =	shalt  }
0x5c: {  	_ =	shalt  }
0x5d: {  	_ =	shalt  }
0x5e: {  	_ =	shalt  }
0x5f: {  	_ =	shalt  }
0x60: {  	_ =	shalt  }
0x61: {  	_ =	shalt  }
0x62: {  	_ =	shalt  }
0x63: {  	_ =	shalt  }
0x64: {  	_ =	shalt  }
0x65: {  	_ =	shalt  }
0x66: {  	_ =	shalt  }
0x67: {  	_ =	shalt  }
0x68: {  	_ =	shalt  }
0x69: {  	_ =	shalt  }
0x6a: {  	_ =	shalt  }
0x6b: {  	_ =	shalt  }
0x6c: {  	_ =	shalt  }
0x6d: {  	_ =	shalt  }
0x6e: {  	_ =	shalt  }
0x6f: {  	_ =	shalt  }
0x70: {  	_ =	shalt  }
0x71: {  	_ =	shalt  }
0x72: {  	_ =	shalt  }
0x73: {  	_ =	shalt  }
0x74: {  	_ =	shalt  }
0x75: {  	_ =	shalt  }
0x76: {  	_ =	shalt  }
0x77: {  	_ =	shalt  }
0x78: {  	_ =	shalt  }
0x79: {  	_ =	shalt  }
0x7a: {  	_ =	shalt  }
0x7b: {  	_ =	shalt  }
0x7c: {  	_ =	shalt  }
0x7d: {  	_ =	shalt  }
0x7e: {  	_ =	shalt  }
0x7f: {  	_ =	shalt  }
0x80: {  	_ =	shalt  }
0x81: {  	_ =	shalt  }
0x82: {  	_ =	shalt  }
0x83: {  	_ =	shalt  }
0x84: {  	_ =	shalt  }
0x85: {  	_ =	shalt  }
0x86: {  	_ =	shalt  }
0x87: {  	_ =	shalt  }
.Lfunc_end0:
.L_simem_size_0:
called_computation_lowered:
.L_overlay_start_0:
0x88: {  	s2 =	sld [smem:$0x3FD9]  }
0x89: {  	s3 =	sld [smem:$0x3FFE];
	_ =	sdelay $0x1  }
0x8a: {  	s1 =	srdreg.scid  }
0x8b: {  	s0 =	sand.u32 $0x1, s1  }
0x8c: {  	s17 =	sshll.u32 s0, $0xA;
	s2 =	sadd.s32 s3, s2  }
0x8d: {  	s2 =	sadd.s32 s2, s17  }
0x8e: {  	[smem:$0x3FC6] =	sst s2  }
0x8f: {  	_ = 	snop  }
0x90: {  	s2 =	sld [smem:$0x3FC9]  }
0x91: {  	s18 =	sld [smem:$0x3FC8];
	(tm) =	ssettm $0x1  }
0x92: {  	s4 =	sld [smem:$0x3FFB];
	_ =	sdelay $0x3  }
0x93: {  	_ =	strace s4  }
0x94: {  	s4 =	sld [smem:$0x3FFC];
	_ =	sdelay $0x3  }
0x95: {  	_ =	strace s4  }
0x96: {  	s4 =	sld [smem:$0x3FFD];
	_ =	sdelay $0x3  }
0x97: {  	_ =	strace s4  }
0x98: {  	_ =	strace $0x8FFFFFFF  }
0x99: {  	s19 =	sld [smem:$0x3FDB];
	_ =	sdelay $0x1  }
0x9a: {  	s5 =	simm.s32 $_scs_section_size  }
0x9b: {  	s6 =	simm.s32 $_size__tile_overlayer_lowered;
	s7 =	simm.s32 $_tile_overlayer_lowered  }
0x9c: {  	s22 =	simm.s32 $0x1BFF;
	s21 =	sshll.u32 s7, $0x1;
	s4 =	sadd.s32 s5, s19  }
0x9d: {  	s8 =	simm.s32 $0x0;
	s20 =	sshll.u32 s6, $0x1;
	s6 =	sadd.s32 s21, s4  }
0x9e: {  	[timem:s8], [sflag:s22] =	dma.local [hbm:s6], s20  }
0x9f: {  	_ =	swait.ge [sflag:s22], s20  }
0xa0: {  	s5 =	ssub.s32 $0x0, s20;
	[sflag:s22] =	ssyncset.done $0x0  }
0xa1: {  	[sflag:s22] =	ssyncadd.s32 s5;
	_ =	sdelay $0x1  }
0xa2: {  	s23 =	simm.s32 $0x1B8B  }
0xa3: {  	_ =	swait.ge [sflag:s23], $0x1  }
0xa4: {  	[sflag:s23] =	ssyncset.done $0x0  }
0xa5: {  	s25 =	simm.s32 $0x1B8E;
	s24 =	sld [smem:$0x3FFE];
	[sflag:s23] =	ssyncadd.s32 $0xFFFFFFFF  }
0xa6: {  	s26 =	simm.s32 $execute0_lowered;
	[smem:$0x3FD2] =	sst s25  }
0xa7: {  	s6 =	sshll.u32 s26, $0x1;
	_ =	strace $0x80000046;
	[dreg:$0x1] =	wrdreg $0xFFFFFFFF  }
0xa8: {  	s28 =	simm.s32 $_size_execute0_lowered;
	s4 =	sadd.s32 s4, s6;
	[dreg:$0x0] =	wrdreg $0x0  }
0xa9: {  	s6 =	sshll.u32 s28, $0x1;
	[dreg:$0x2] =	wrdreg s4  }
0xaa: {  	[dreg:$0x3] =	wrdreg s6  }
0xab: {  	[dreg:$0x4] =	wrdreg $0xC0  }
0xac: {  	_ =	task [dreg:s8], $0x5FFFF  }
0xad: {  	[dreg:$0x1] =	wrdreg $0xFFFFFFFF  }
0xae: {  	[dreg:$0x0] =	wrdreg $0x60  }
0xaf: {  	[dreg:$0x2] =	wrdreg s2  }
0xb0: {  	[dreg:$0x3] =	wrdreg s18  }
0xb1: {  	[dreg:$0x4] =	wrdreg s24  }
0xb2: {  	[dreg:$0x5] =	wrdreg $0x9  }
0xb3: {  	_ =	task.clear_ibuf [dreg:s8], $0x6FFFF;
	_ =	strace $0x90000046  }
0xb4: {  	s29 =	simm.s32 $0x9;
	_ =	strace $0x80000048  }
0xb5: {  	_ =	swait.ge [sflag:s29], $0x1  }
0xb6: {  	[sflag:s29] =	ssyncadd.s32 $0xFFFFFFFF  }
0xb7: {  	_ =	strace $0x90000048  }
0xb8: {  	_ =	sfence  }
0xb9: {  	s30 =	sld [smem:$0x0];
	_ =	sdelay $0x2  }
0xba: {  	s31 =	sshll.u32 s1, $0xD;
	s1 =	sshrl.u32 s1, $0x2  }
0xbb: {  	s3 =	sand.u32 $0x4000, s31;
	s1 =	sadd.s32 s1, s30  }
0xbc: {  	s0 =	sor.u32 s3, s0;
	s1 =	sshll.u32 s1, $0x11  }
0xbd: {  	s0 =	sor.u32 s1, s0  }
0xbe: {  	s0 =	sadd.s32 $0x8F2B, s0  }
0xbf: {  	[sflag:s0] =	ssyncadd.remote.s32 $0x1  }
0xc0: {  	_ =	sfence.sel $0xFFFF  }
0xc1: {  	[dreg:$0x0] =	wrdreg $0xFFFFFFFF;
	(pc) =	sbr.abs _section_cstart, $3  }
0xc2: {  	[dreg:$0x1] =	wrdreg $0xFFFFFFFF  }
0xc3: {  	_ =	task.clear_ibuf [dreg:s8], $0x2FFFF;
	_ =	strace $0x9FFFFFFF  }
0xc4: {  	(tm) =	ssettm $0x7FFFFFFF  }
0xc5: {  	_ =	shalt  }
tec
execute0_lowered:
.L_overlay_start_1:
0x0: {  	(tag) =	ssettag $0x1  }
0x1: {  	s0 =	rddreg [dreg:$0x0];
	s1 =	srdreg.scid  }
0x2: {  	s13 =	stileid.u32;
	s2 =	rddreg [dreg:$0x2]  }
0x3: {  	s14 =	simm.s32 $0x3;
	s15 =	simm.s32 $0x400;
	s16 =	simm.s32 $0x8400  }
0x4: {  	s17 =	simm.s32 $0x1;
	s18 =	simm.s32 $0x2;
	s19 =	simm.s32 $0x80  }
0x5: {  	s24 =	simm.s32 $0x0;
	s1 =	sand.u32 $0x1, s1;
	s3 =	sshll.u32 s13, $0x1  }
0x6: {  	s31 =	sshll.u32 s13, $0xB;
	s5 =	sor.u32 s1, s3;
	s3 =	simm.s32 $0x0  }
0x7: {  	s7 =	ssub.s32 $0x2, s1;
	s1 =	sshll.u32 s1, $0xA;
	s4 =	sshll.u32 s5, $0xA  }
0x8: {  	s6 =	sshll.u32 s5, $0x7;
	[smem:$0x7FF] =	sst s3;
	s8 =	sshrl.u32 s7, $0x1  }
0x9: {  	s5 =	sshll.u32 s5, $0x11;
	s13 =	sor.u32 s1, s31;
	s6 =	sor.u32 s6, s4  }
.Ltmp0:
0xa: {  	_ =	strace $0x80000047;
	s6 =	sand.u32 $0x6380, s6;
	(pc) =	sbr.rel .LBB2_1-.Ltmp0, $4  }
0xb: {  	s12 =	ssub.s32 s7, s8;
	s5 =	sadd.s32 s0, s5;
	s6 =	sshrl.u32 s6, $0x3  }
0xc: {  	s7 =	sadd.s32 $0x2000, s0;
	s30 =	sadd.s32 $0x1000, s5;
	s2 =	sadd.s32 s6, s2  }
0xd: {  	s12 =	smax.u32 s12, $0x1;
	[dreg:$0x4] =	wrdreg s30;
	s8 =	sadd.s32 $0x1A00, s2  }
0xe: {  	v0 =	vimm.f32 $0.0e+00;
	v1 =	vimm.f32 $-Inf;
	s9 =	sadd.s32 $0x2A00, s2;
	s10 =	sadd.s32 $0x3A00, s2;
	s11 =	sadd.s32 $0x4A00, s2  }
.LBB2_14:
0xf: {  	s0 =	simm.s32 $0x10400  }
0x10: {  	[hbm4b:s8+s19] =	stream.strided.scatter [tilespmem:s0], [sflag:$0x3], $0x400, s15, s19, $0x38;
	[tilespmem:$0x11400] =	vst v63  }
0x11: {  	_ =	swait.ge [sflag:s14], $0x400  }
0x12: {  	[sflag:s14] =	ssyncset.done $0x0  }
0x13: {  	s29 =	simm.s32 $0x10800;
	[sflag:s14] =	ssyncadd.s32 $0xFFFFFC00  }
0x14: {  	[hbm4b:s9+s19] =	stream.strided.scatter [tilespmem:s29], [sflag:$0x3], $0x400, s15, s19, $0x38;
	[tilespmem:$0x11400] =	vst v63  }
0x15: {  	_ =	swait.ge [sflag:s14], $0x400  }
0x16: {  	[sflag:s14] =	ssyncset.done $0x0  }
0x17: {  	s30 =	simm.s32 $0x10C00;
	[sflag:s14] =	ssyncadd.s32 $0xFFFFFC00  }
0x18: {  	[hbm4b:s10+s19] =	stream.strided.scatter [tilespmem:s30], [sflag:$0x3], $0x400, s15, s19, $0x38;
	[tilespmem:$0x11400] =	vst v63  }
0x19: {  	s24 =	sadd.s32 $0x1, s24;
	_ =	swait.ge [sflag:s14], $0x400  }
0x1a: {  	p0 =	sne.s32 s24, s12;
	[sflag:s14] =	ssyncset.done $0x0  }
.Ltmp1:
0x1b: {  	s31 =	simm.s32 $0x11000;
	[sflag:s14] =	ssyncadd.s32 $0xFFFFFC00;
	(pc) =	sbr.rel @!p0 .LBB2_15-.Ltmp1, $4  }
0x1c: {  	[hbm4b:s11+s19] =	stream.strided.scatter [tilespmem:s31], [sflag:$0x3], $0x400, s15, s19, $0x38;
	[tilespmem:$0x11400] =	vst v63  }
0x1d: {  	_ =	swait.ge [sflag:s14], $0x400  }
0x1e: {  	[sflag:s14] =	ssyncset.done $0x0  }
0x1f: {  	[sflag:s14] =	ssyncadd.s32 $0xFFFFFC00  }
.LBB2_1:
0x20: {  	s0 =	rddreg [dreg:$0x1]  }
0x21: {  	[tilespmem:s3], [sflag:$0x3] =	stream.linear.gather [hbm4b:s0+s3], $0x400, $0x38;
	[tilespmem:$0x11400] =	vst v63  }
0x22: {  	_ =	swait.ge [sflag:s14], $0x400  }
0x23: {  	[sflag:s14] =	ssyncset.done $0x0  }
0x24: {  	s1 =	simm.s32 $0x40;
	s0 =	simm.s32 $0x0;
	[sflag:s14] =	ssyncadd.s32 $0xFFFFFC00  }
.LBB2_2:
0x25: {  	p0 =	sne.s32 s1, $0xFC0;
	[tilespmem:s0+$0x11000] =	vst v0;
	s2 =	smov.u32 s1;
	s1 =	sadd.s32 $0x40, s1  }
.Ltmp2:
0x26: {  	[tilespmem:s0+$0x10C00] =	vst v0;
	(pc) =	sbr.rel @p0 .LBB2_2-.Ltmp2, $3  }
0x27: {  	[tilespmem:s0+$0x10400] =	vst v0  }
0x28: {  	[tilespmem:s0+$0x10800] =	vst v1;
	_ =	sdelay $0x1  }
0x29: {  	s0 =	sshra.s32 s2, $0x2  }
0x2a: {  	[tilespmem:s0+$0x11000] =	vst v0  }
0x2b: {  	[tilespmem:s0+$0x10C00] =	vst v0  }
0x2c: {  	[tilespmem:s0+$0x10400] =	vst v0  }
0x2d: {  	[tilespmem:s0+$0x10800] =	vst v1;
	s25 =	simm.s32 $0x0  }
0x2e: {  	[tilespmem:s15], [sflag:$0x1] =	stream.linear.gather [hbm4b:s5+s25], $0x8000, $0x38;
	[tilespmem:$0x11400] =	vst v63  }
0x2f: {  	s31 =	rddreg [dreg:$0x4];
	s26 =	smov.u32 s13  }
0x30: {  	[tilespmem:s16], [sflag:$0x2] =	stream.linear.gather [hbm4b:s31+s25], $0x8000, $0x38;
	[tilespmem:$0x11400] =	vst v63  }
.LBB2_4:
0x31: {  	_ =	swait.ge [sflag:s17], $0x8000;
	s0 =	sshll.u32 s25, $0x6  }
0x32: {  	s29 =	simm.s32 $0x0;
	s30 =	simm.s32 $0x0;
	[sflag:s17] =	ssyncset.done $0x0  }
0x33: {  	s31 =	simm.s32 $0x0;
	s28 =	sor.u32 s4, s0;
	[sflag:s17] =	ssyncadd.s32 $0xFFFF8000  }
.LBB2_5:
0x34: {  	s0 =	sshll.u32 s30, $0x2;
	s1 =	sand.u32 $0x7, s29  }
0x35: {  	s0 =	sand.u32 $0xFFFFF000, s0;
	s1 =	sshll.u32 s1, $0x6  }
0x36: {  	s0 =	sor.u32 s1, s0  }
0x37: {  	s0 =	sshrl.u32 s0, $0x2  }
0x38: {  	s2 =	sadd.s32 $0x600, s0  }
0x39: {  	s1 =	sshll.u32 s31, $0x4;
	v4 =	vld [tilespmem:s2+$0xFFFFFE00]  }
0x3a: {  	v7 =	vld [tilespmem:s1+$0x0]  }
0x3b: {  	v5 =	vld [tilespmem:s2+$0xFFFFFE80]  }
0x3c: {  	v3 =	vld [tilespmem:s2+$0x180]  }
0x3d: {  	s0 =	sadd.s32 $0xFFFFFFF8, s26;
	v6 =	vld [tilespmem:s2+$0xFFFFFF00]  }
0x3e: {  	s20 =	sadd.s32 $0xE, s0;
	s21 =	sadd.s32 $0xF, s0;
	v9 =	vld [tilespmem:s2+$0xFFFFFF80];
	v10 =	vmul.f32 $1.442695020e+00, v4  }
0x3f: {  	s22 =	sadd.s32 $0xD, s0;
	v11 =	vld [tilespmem:s2+$0x0];
	vm1 =	veq.s32 v7, s20;
	vm3 =	veq.s32 v7, s21  }
0x40: {  	s23 =	sadd.s32 $0xC, s0;
	v8 =	vld [tilespmem:s2+$0x80];
	s6 =	sadd.s32 $0x9, s0;
	s20 =	sadd.s32 $0xA, s0;
	vm4 =	veq.s32 v7, s22;
	v12 =	vmul.f32 $1.442695020e+00, v5;
	(erf) = vpow2.f32 v10  }
0x41: {  	s21 =	sadd.s32 $0xB, s0;
	vm6 =	veq.s32 v7, s23;
	vm7 =	veq.s32 v7, s6;
	vm5 =	veq.s32 v7, s20  }
0x42: {  	v2 =	vld [tilespmem:s2+$0x100];
	s0 =	sadd.s32 $0x8, s0;
	vm2 =	veq.s32 v7, s21;
	v13 =	vmul.f32 $1.442695020e+00, v6;
	(erf) = vpow2.f32 v12  }
0x43: {  	vm8 =	veq.s32 v7, s0;
	vm0 =	veq.f32 v3, $0.0e+00;
	v16 =	vmul.f32 $1.442695020e+00, v9  }
0x44: {  	v14 =	vld [tilespmem:s1+$0x10400];
	v19 =	vmul.f32 $1.442695020e+00, v11;
	v15 =	vnsel vm6, $0x0, v11;
	(erf) = vpow2.f32 v13  }
0x45: {  	v20 =	vld [tilespmem:s1+$0x11000];
	v17 =	vmul.f32 $1.442695020e+00, v3;
	v18 =	vnsel vm7, $0x0, v5;
	v22 =	vmul.f32 $1.442695020e+00, v8  }
0x46: {  	v23 =	vld [tilespmem:s1+$0x10C00];
	v24 =	vnsel vm8, $0x0, v4;
	v10 =	vnsel vm3, $0x0, v3;
	(erf) = vpow2.f32 v16  }
0x47: {  	vm3 =	veq.f32 v8, $0.0e+00;
	v12 =	vnsel vm1, $0x0, v2;
	vm1 =	veq.f32 v2, $0.0e+00  }
0x48: {  	v13 =	vnsel vm4, $0x0, v8;
	vm4 =	veq.f32 v11, $0.0e+00;
	(erf) = vpow2.f32 v19  }
0x49: {  	v16 =	vnsel vm5, $0x0, v6;
	vm5 =	veq.f32 v4, $0.0e+00;
	v19 =	vmul.f32 $1.442695020e+00, v2;
	v21 =	vpop (erf)  }
0x4a: {  	v25 =	vsel vm5, $0x3F800000, v0;
	(erf) = vpow2.f32 v22;
	v21 =	vadd.f32 v21, v14  }
0x4b: {  	s2 =	sadd.s32 $0x2000, s2;
	s0 =	simm.s32 $0x0;
	vm5 =	veq.f32 v5, $0.0e+00;
	v22 =	vadd.f32 v25, v20;
	v20 =	vadd.f32 v24, v23;
	v14 =	vld [tilespmem:s1+$0x10800];
	v23 =	vpop (erf)  }
.LBB2_6:
0x4c: {  	v24 =	vld [tilespmem:s2+$0xFFFFFE00];
	v21 =	vadd.f32 v23, v21;
	v23 =	vsel vm5, $0x3F800000, v0;
	(erf) = vpow2.f32 v19;
	s20 =	smov.u32 s0  }
0x4d: {  	vm5 =	veq.f32 v6, $0.0e+00;
	v19 =	vadd.f32 v23, v22;
	v22 =	vadd.f32 v18, v20;
	v20 =	vpop (erf)  }
0x4e: {  	v20 =	vadd.f32 v20, v21;
	v21 =	vsel vm5, $0x3F800000, v0;
	(erf) = vpow2.f32 v17  }
0x4f: {  	vm5 =	veq.f32 v9, $0.0e+00;
	v17 =	vadd.f32 v21, v19;
	v16 =	vadd.f32 v16, v22;
	v18 =	vpop (erf)  }
0x50: {  	v22 =	vsel vm5, $0x3F800000, v0;
	v18 =	vadd.f32 v18, v20;
	v20 =	vnsel vm2, $0x0, v9  }
0x51: {  	v21 =	vmul.f32 $1.442695020e+00, v24;
	v17 =	vadd.f32 v22, v17;
	v20 =	vadd.f32 v20, v16;
	v19 =	vpop (erf)  }
0x52: {  	v14 =	vmax.f32 v14, v4;
	v4 =	vmovc v24;
	v18 =	vadd.f32 v19, v18;
	v19 =	vsel vm4, $0x3F800000, v0  }
0x53: {  	v5 =	vmax.f32 v14, v5;
	v14 =	vadd.f32 v19, v17;
	v17 =	vadd.f32 v15, v20;
	v16 =	vpop (erf)  }
0x54: {  	v5 =	vmax.f32 v5, v6;
	v6 =	vadd.f32 v16, v18;
	v16 =	vsel vm3, $0x3F800000, v0  }
0x55: {  	s0 =	sadd.s32 $0x8, s0;
	v9 =	vmax.f32 v5, v9;
	v14 =	vadd.f32 v16, v14;
	v16 =	vadd.f32 v13, v17;
	v15 =	vpop (erf)  }
0x56: {  	p0 =	slt.u32 s0, $0x18;
	v9 =	vmax.f32 v9, v11;
	v5 =	vld [tilespmem:s2+$0xFFFFFE80];
	v11 =	vadd.f32 v15, v6;
	v6 =	vsel vm1, $0x3F800000, v0  }
0x57: {  	v8 =	vmax.f32 v9, v8;
	v15 =	vld [tilespmem:s2+$0x180];
	v9 =	vadd.f32 v6, v14;
	v12 =	vadd.f32 v12, v16;
	v13 =	vpop (erf)  }
0x58: {  	s20 =	sadd.s32 s20, s26;
	v8 =	vmax.f32 v8, v2;
	v6 =	vld [tilespmem:s2+$0xFFFFFF00];
	v20 =	vadd.f32 v13, v11;
	v11 =	vsel vm0, $0x3F800000, v0  }
0x59: {  	s21 =	sadd.s32 $0xE, s20;
	s22 =	sadd.s32 $0xF, s20;
	v14 =	vmax.f32 v8, v3;
	v2 =	vld [tilespmem:s2+$0x100];
	v22 =	vadd.f32 v11, v9;
	v23 =	vadd.f32 v10, v12  }
0x5a: {  	s23 =	sadd.s32 $0xD, s20;
	s6 =	sadd.s32 $0xC, s20;
	vm3 =	veq.s32 v7, s22;
	vm1 =	veq.s32 v7, s21;
	v9 =	vld [tilespmem:s2+$0xFFFFFF80]  }
0x5b: {  	vm4 =	veq.s32 v7, s23;
	s22 =	sadd.s32 $0xB, s20;
	s21 =	sadd.s32 $0xA, s20;
	v10 =	vmul.f32 $1.442695020e+00, v5;
	v8 =	vld [tilespmem:s2+$0x80];
	(erf) = vpow2.f32 v21  }
0x5c: {  	vm6 =	veq.s32 v7, s6;
	s23 =	sadd.s32 $0x9, s20;
	vm2 =	veq.s32 v7, s22;
	vm5 =	veq.s32 v7, s21;
	v11 =	vld [tilespmem:s2+$0x0];
	v3 =	vmovc v15  }
0x5d: {  	s6 =	sadd.s32 $0x8, s20;
	vm7 =	veq.s32 v7, s23;
	v13 =	vmul.f32 $1.442695020e+00, v6;
	(erf) = vpow2.f32 v10  }
0x5e: {  	vm8 =	veq.s32 v7, s6;
	vm0 =	veq.f32 v3, $0.0e+00;
	v10 =	vnsel vm3, $0x0, v3  }
0x5f: {  	v12 =	vnsel vm1, $0x0, v2;
	v16 =	vmul.f32 $1.442695020e+00, v9;
	(erf) = vpow2.f32 v13  }
0x60: {  	vm1 =	veq.f32 v2, $0.0e+00;
	vm3 =	veq.f32 v8, $0.0e+00;
	v13 =	vnsel vm4, $0x0, v8  }
0x61: {  	v19 =	vmul.f32 $1.442695020e+00, v11;
	v15 =	vnsel vm6, $0x0, v11;
	(erf) = vpow2.f32 v16  }
.Ltmp3:
0x62: {  	v17 =	vmul.f32 $1.442695020e+00, v3;
	v16 =	vnsel vm5, $0x0, v6;
	vm4 =	veq.f32 v11, $0.0e+00;
	(pc) =	sbr.rel @p0 .LBB2_6-.Ltmp3, $4  }
0x63: {  	v18 =	vnsel vm7, $0x0, v5;
	v24 =	vmul.f32 $1.442695020e+00, v8;
	(erf) = vpow2.f32 v19  }
0x64: {  	v25 =	vnsel vm8, $0x0, v4;
	vm5 =	veq.f32 v4, $0.0e+00;
	v19 =	vmul.f32 $1.442695020e+00, v2;
	v21 =	vpop (erf)  }
0x65: {  	v21 =	vadd.f32 v21, v20;
	v20 =	vsel vm5, $0x3F800000, v0;
	(erf) = vpow2.f32 v24  }
0x66: {  	s2 =	sadd.s32 $0x2000, s2;
	vm5 =	veq.f32 v5, $0.0e+00;
	v22 =	vadd.f32 v20, v22;
	v20 =	vadd.f32 v25, v23;
	v23 =	vpop (erf)  }
0x67: {  	v7 =	vadd.f32 v23, v21;
	v43 =	vsel vm5, $0x3F800000, v0;
	(erf) = vpow2.f32 v19  }
0x68: {  	vm14 =	veq.f32 v6, $0.0e+00;
	v44 =	vadd.f32 v43, v22;
	v45 =	vpop (erf);
	(erf) = vpow2.f32 v17  }
0x69: {  	v46 =	vadd.f32 v18, v20;
	v47 =	vsel vm14, $0x3F800000, v0;
	v7 =	vadd.f32 v45, v7  }
0x6a: {  	vm15 =	veq.f32 v9, $0.0e+00;
	v51 =	vnsel vm2, $0x0, v9;
	v48 =	vpop (erf);
	v18 =	vadd.f32 v47, v44  }
0x6b: {  	v49 =	vsel vm15, $0x3F800000, v0;
	v16 =	vadd.f32 v16, v46;
	v7 =	vadd.f32 v48, v7  }
0x6c: {  	v4 =	vmax.f32 v14, v4;
	v52 =	vsel vm4, $0x3F800000, v0;
	v50 =	vpop (erf);
	v17 =	vadd.f32 v49, v18  }
0x6d: {  	v4 =	vmax.f32 v4, v5;
	v16 =	vadd.f32 v51, v16;
	v7 =	vadd.f32 v50, v7  }
0x6e: {  	v56 =	vsel vm3, $0x3F800000, v0;
	v4 =	vmax.f32 v4, v6;
	v53 =	vpop (erf);
	v54 =	vadd.f32 v52, v17  }
0x6f: {  	v4 =	vmax.f32 v4, v9;
	v55 =	vadd.f32 v15, v16;
	v7 =	vadd.f32 v53, v7  }
0x70: {  	v60 =	vsel vm1, $0x3F800000, v0;
	v4 =	vmax.f32 v4, v11;
	v57 =	vpop (erf);
	v5 =	vadd.f32 v56, v54  }
0x71: {  	s31 =	sadd.s32 $0x1, s31;
	v4 =	vmax.f32 v4, v8;
	v59 =	vadd.f32 v13, v55;
	v58 =	vadd.f32 v57, v7  }
0x72: {  	v62 =	vsel vm0, $0x3F800000, v0;
	p0 =	sne.s32 s31, $0x40;
	v2 =	vmax.f32 v4, v2;
	v61 =	vpop (erf);
	v5 =	vadd.f32 v60, v5  }
.Ltmp4:
0x73: {  	v2 =	vmax.f32 v2, v3;
	v7 =	vadd.f32 v12, v59;
	v6 =	vadd.f32 v61, v58;
	(pc) =	sbr.rel @p0 .LBB2_5-.Ltmp4, $4  }
0x74: {  	[tilespmem:s1+$0x10800] =	vst v2;
	v3 =	vadd.f32 v62, v5  }
0x75: {  	v63 =	vadd.f32 v10, v7;
	[tilespmem:s1+$0x10400] =	vst v6  }
0x76: {  	[tilespmem:s1+$0x11000] =	vst v3  }
0x77: {  	s30 =	sadd.s32 $0x80, s30;
	s29 =	sadd.s32 $0x1, s29;
	[tilespmem:s1+$0x10C00] =	vst v63  }
0x78: {  	p0 =	seq.s32 s25, $0xF  }
0x79: {  	s0 =	sshll.u32 @!p0 s28, $0x7  }
0x7a: {  	s1 =	simm.s32 @!p0 $0x0;
	s2 =	simm.s32 @!p0 $0x400;
	s0 =	sadd.s32 @!p0 s0, s7  }
0x7b: {  	[tilespmem:s2], [sflag:$0x1] =	stream.linear.gather @!p0 [hbm4b:s0+s1], $0x8000, $0x38;
	[tilespmem:$0x11400] =	vst v63  }
0x7c: {  	_ =	swait.ge [sflag:s18], $0x8000  }
0x7d: {  	s29 =	simm.s32 $0x0;
	s30 =	simm.s32 $0x0;
	[sflag:s18] =	ssyncset.done $0x0  }
0x7e: {  	s31 =	simm.s32 $0x0;
	s28 =	sor.u32 $0x20, s28;
	[sflag:s18] =	ssyncadd.s32 $0xFFFF8000  }
.LBB2_9:
0x7f: {  	s0 =	sshll.u32 s30, $0x2;
	s1 =	sand.u32 $0x7, s29  }
0x80: {  	s0 =	sand.u32 $0xFFFFF000, s0;
	s1 =	sshll.u32 s1, $0x6  }
0x81: {  	s0 =	sor.u32 s1, s0  }
0x82: {  	s0 =	sshrl.u32 s0, $0x2  }
0x83: {  	s2 =	sadd.s32 $0x8600, s0  }
0x84: {  	s1 =	sshll.u32 s31, $0x4;
	v4 =	vld [tilespmem:s2+$0xFFFFFE00]  }
0x85: {  	v7 =	vld [tilespmem:s1+$0x0]  }
0x86: {  	v5 =	vld [tilespmem:s2+$0xFFFFFE80]  }
0x87: {  	v3 =	vld [tilespmem:s2+$0x180]  }
0x88: {  	s0 =	sadd.s32 $0xFFFFFFF8, s26;
	v6 =	vld [tilespmem:s2+$0xFFFFFF00]  }
0x89: {  	s6 =	sadd.s32 $0x2E, s0;
	s20 =	sadd.s32 $0x2F, s0;
	v9 =	vld [tilespmem:s2+$0xFFFFFF80];
	v10 =	vmul.f32 $1.442695020e+00, v4  }
0x8a: {  	s21 =	sadd.s32 $0x2D, s0;
	v11 =	vld [tilespmem:s2+$0x0];
	vm1 =	veq.s32 v7, s6;
	vm3 =	veq.s32 v7, s20  }
0x8b: {  	s22 =	sadd.s32 $0x2C, s0;
	v8 =	vld [tilespmem:s2+$0x80];
	s23 =	sadd.s32 $0x29, s0;
	s6 =	sadd.s32 $0x2A, s0;
	vm4 =	veq.s32 v7, s21;
	v12 =	vmul.f32 $1.442695020e+00, v5;
	(erf) = vpow2.f32 v10  }
0x8c: {  	s20 =	sadd.s32 $0x2B, s0;
	vm6 =	veq.s32 v7, s22;
	vm7 =	veq.s32 v7, s23;
	vm5 =	veq.s32 v7, s6  }
0x8d: {  	v2 =	vld [tilespmem:s2+$0x100];
	s0 =	sadd.s32 $0x28, s0;
	vm2 =	veq.s32 v7, s20;
	v13 =	vmul.f32 $1.442695020e+00, v6;
	(erf) = vpow2.f32 v12  }
0x8e: {  	vm8 =	veq.s32 v7, s0;
	vm0 =	veq.f32 v3, $0.0e+00;
	v16 =	vmul.f32 $1.442695020e+00, v9  }
0x8f: {  	v14 =	vld [tilespmem:s1+$0x10400];
	v19 =	vmul.f32 $1.442695020e+00, v11;
	v15 =	vnsel vm6, $0x0, v11;
	(erf) = vpow2.f32 v13  }
0x90: {  	v20 =	vld [tilespmem:s1+$0x11000];
	v17 =	vmul.f32 $1.442695020e+00, v3;
	v18 =	vnsel vm7, $0x0, v5;
	v22 =	vmul.f32 $1.442695020e+00, v8  }
0x91: {  	v23 =	vld [tilespmem:s1+$0x10C00];
	v24 =	vnsel vm8, $0x0, v4;
	v10 =	vnsel vm3, $0x0, v3;
	(erf) = vpow2.f32 v16  }
0x92: {  	vm3 =	veq.f32 v8, $0.0e+00;
	v12 =	vnsel vm1, $0x0, v2;
	vm1 =	veq.f32 v2, $0.0e+00  }
0x93: {  	v13 =	vnsel vm4, $0x0, v8;
	vm4 =	veq.f32 v11, $0.0e+00;
	(erf) = vpow2.f32 v19  }
0x94: {  	v16 =	vnsel vm5, $0x0, v6;
	vm5 =	veq.f32 v4, $0.0e+00;
	v19 =	vmul.f32 $1.442695020e+00, v2;
	v21 =	vpop (erf)  }
0x95: {  	v25 =	vsel vm5, $0x3F800000, v0;
	(erf) = vpow2.f32 v22;
	v21 =	vadd.f32 v21, v14  }
0x96: {  	s2 =	sadd.s32 $0x2000, s2;
	s0 =	simm.s32 $0x0;
	vm5 =	veq.f32 v5, $0.0e+00;
	v22 =	vadd.f32 v25, v20;
	v20 =	vadd.f32 v24, v23;
	v14 =	vld [tilespmem:s1+$0x10800];
	v23 =	vpop (erf)  }
.LBB2_10:
0x97: {  	v24 =	vld [tilespmem:s2+$0xFFFFFE00];
	v21 =	vadd.f32 v23, v21;
	v23 =	vsel vm5, $0x3F800000, v0;
	(erf) = vpow2.f32 v19;
	s6 =	smov.u32 s0  }
0x98: {  	vm5 =	veq.f32 v6, $0.0e+00;
	v19 =	vadd.f32 v23, v22;
	v22 =	vadd.f32 v18, v20;
	v20 =	vpop (erf)  }
0x99: {  	v20 =	vadd.f32 v20, v21;
	v21 =	vsel vm5, $0x3F800000, v0;
	(erf) = vpow2.f32 v17  }
0x9a: {  	vm5 =	veq.f32 v9, $0.0e+00;
	v17 =	vadd.f32 v21, v19;
	v16 =	vadd.f32 v16, v22;
	v18 =	vpop (erf)  }
0x9b: {  	v22 =	vsel vm5, $0x3F800000, v0;
	v18 =	vadd.f32 v18, v20;
	v20 =	vnsel vm2, $0x0, v9  }
0x9c: {  	v21 =	vmul.f32 $1.442695020e+00, v24;
	v17 =	vadd.f32 v22, v17;
	v20 =	vadd.f32 v20, v16;
	v19 =	vpop (erf)  }
0x9d: {  	v14 =	vmax.f32 v14, v4;
	v4 =	vmovc v24;
	v18 =	vadd.f32 v19, v18;
	v19 =	vsel vm4, $0x3F800000, v0  }
0x9e: {  	v5 =	vmax.f32 v14, v5;
	v14 =	vadd.f32 v19, v17;
	v17 =	vadd.f32 v15, v20;
	v16 =	vpop (erf)  }
0x9f: {  	v5 =	vmax.f32 v5, v6;
	v6 =	vadd.f32 v16, v18;
	v16 =	vsel vm3, $0x3F800000, v0  }
0xa0: {  	s0 =	sadd.s32 $0x8, s0;
	v9 =	vmax.f32 v5, v9;
	v14 =	vadd.f32 v16, v14;
	v16 =	vadd.f32 v13, v17;
	v15 =	vpop (erf)  }
0xa1: {  	p1 =	slt.u32 s0, $0x18;
	v9 =	vmax.f32 v9, v11;
	v5 =	vld [tilespmem:s2+$0xFFFFFE80];
	v11 =	vadd.f32 v15, v6;
	v6 =	vsel vm1, $0x3F800000, v0  }
0xa2: {  	v8 =	vmax.f32 v9, v8;
	v15 =	vld [tilespmem:s2+$0x180];
	v9 =	vadd.f32 v6, v14;
	v12 =	vadd.f32 v12, v16;
	v13 =	vpop (erf)  }
0xa3: {  	s6 =	sadd.s32 s6, s26;
	v8 =	vmax.f32 v8, v2;
	v6 =	vld [tilespmem:s2+$0xFFFFFF00];
	v20 =	vadd.f32 v13, v11;
	v11 =	vsel vm0, $0x3F800000, v0  }
0xa4: {  	s20 =	sadd.s32 $0x2E, s6;
	s21 =	sadd.s32 $0x2F, s6;
	v14 =	vmax.f32 v8, v3;
	v2 =	vld [tilespmem:s2+$0x100];
	v22 =	vadd.f32 v11, v9;
	v23 =	vadd.f32 v10, v12  }
0xa5: {  	s22 =	sadd.s32 $0x2D, s6;
	s23 =	sadd.s32 $0x2C, s6;
	vm3 =	veq.s32 v7, s21;
	vm1 =	veq.s32 v7, s20;
	v9 =	vld [tilespmem:s2+$0xFFFFFF80]  }
0xa6: {  	vm4 =	veq.s32 v7, s22;
	s21 =	sadd.s32 $0x2B, s6;
	s20 =	sadd.s32 $0x2A, s6;
	v10 =	vmul.f32 $1.442695020e+00, v5;
	v8 =	vld [tilespmem:s2+$0x80];
	(erf) = vpow2.f32 v21  }
0xa7: {  	vm6 =	veq.s32 v7, s23;
	s22 =	sadd.s32 $0x29, s6;
	vm2 =	veq.s32 v7, s21;
	vm5 =	veq.s32 v7, s20;
	v11 =	vld [tilespmem:s2+$0x0];
	v3 =	vmovc v15  }
0xa8: {  	vm7 =	veq.s32 v7, s22;
	s6 =	sadd.s32 $0x28, s6;
	v13 =	vmul.f32 $1.442695020e+00, v6;
	(erf) = vpow2.f32 v10  }
0xa9: {  	vm8 =	veq.s32 v7, s6;
	vm0 =	veq.f32 v3, $0.0e+00;
	v10 =	vnsel vm3, $0x0, v3  }
0xaa: {  	v12 =	vnsel vm1, $0x0, v2;
	v16 =	vmul.f32 $1.442695020e+00, v9;
	(erf) = vpow2.f32 v13  }
0xab: {  	vm1 =	veq.f32 v2, $0.0e+00;
	vm3 =	veq.f32 v8, $0.0e+00;
	v13 =	vnsel vm4, $0x0, v8  }
0xac: {  	v19 =	vmul.f32 $1.442695020e+00, v11;
	v15 =	vnsel vm6, $0x0, v11;
	(erf) = vpow2.f32 v16  }
.Ltmp5:
0xad: {  	v17 =	vmul.f32 $1.442695020e+00, v3;
	v16 =	vnsel vm5, $0x0, v6;
	vm4 =	veq.f32 v11, $0.0e+00;
	(pc) =	sbr.rel @p1 .LBB2_10-.Ltmp5, $4  }
0xae: {  	v18 =	vnsel vm7, $0x0, v5;
	v24 =	vmul.f32 $1.442695020e+00, v8;
	(erf) = vpow2.f32 v19  }
0xaf: {  	v25 =	vnsel vm8, $0x0, v4;
	vm5 =	veq.f32 v4, $0.0e+00;
	v19 =	vmul.f32 $1.442695020e+00, v2;
	v21 =	vpop (erf)  }
0xb0: {  	v21 =	vadd.f32 v21, v20;
	v20 =	vsel vm5, $0x3F800000, v0;
	(erf) = vpow2.f32 v24  }
0xb1: {  	s2 =	sadd.s32 $0x2000, s2;
	vm5 =	veq.f32 v5, $0.0e+00;
	v22 =	vadd.f32 v20, v22;
	v20 =	vadd.f32 v25, v23;
	v23 =	vpop (erf)  }
0xb2: {  	v7 =	vadd.f32 v23, v21;
	v43 =	vsel vm5, $0x3F800000, v0;
	(erf) = vpow2.f32 v19  }
0xb3: {  	vm14 =	veq.f32 v6, $0.0e+00;
	v44 =	vadd.f32 v43, v22;
	v45 =	vpop (erf);
	(erf) = vpow2.f32 v17  }
0xb4: {  	v46 =	vadd.f32 v18, v20;
	v47 =	vsel vm14, $0x3F800000, v0;
	v7 =	vadd.f32 v45, v7  }
0xb5: {  	vm15 =	veq.f32 v9, $0.0e+00;
	v51 =	vnsel vm2, $0x0, v9;
	v48 =	vpop (erf);
	v18 =	vadd.f32 v47, v44  }
0xb6: {  	v49 =	vsel vm15, $0x3F800000, v0;
	v16 =	vadd.f32 v16, v46;
	v7 =	vadd.f32 v48, v7  }
0xb7: {  	v4 =	vmax.f32 v14, v4;
	v52 =	vsel vm4, $0x3F800000, v0;
	v50 =	vpop (erf);
	v17 =	vadd.f32 v49, v18  }
0xb8: {  	v4 =	vmax.f32 v4, v5;
	v16 =	vadd.f32 v51, v16;
	v7 =	vadd.f32 v50, v7  }
0xb9: {  	v56 =	vsel vm3, $0x3F800000, v0;
	v4 =	vmax.f32 v4, v6;
	v53 =	vpop (erf);
	v54 =	vadd.f32 v52, v17  }
0xba: {  	v4 =	vmax.f32 v4, v9;
	v55 =	vadd.f32 v15, v16;
	v7 =	vadd.f32 v53, v7  }
0xbb: {  	v60 =	vsel vm1, $0x3F800000, v0;
	v4 =	vmax.f32 v4, v11;
	v57 =	vpop (erf);
	v5 =	vadd.f32 v56, v54  }
0xbc: {  	s31 =	sadd.s32 $0x1, s31;
	v4 =	vmax.f32 v4, v8;
	v59 =	vadd.f32 v13, v55;
	v58 =	vadd.f32 v57, v7  }
0xbd: {  	v62 =	vsel vm0, $0x3F800000, v0;
	p1 =	sne.s32 s31, $0x40;
	v2 =	vmax.f32 v4, v2;
	v61 =	vpop (erf);
	v5 =	vadd.f32 v60, v5  }
.Ltmp6:
0xbe: {  	v2 =	vmax.f32 v2, v3;
	v7 =	vadd.f32 v12, v59;
	v6 =	vadd.f32 v61, v58;
	(pc) =	sbr.rel @p1 .LBB2_9-.Ltmp6, $4  }
0xbf: {  	[tilespmem:s1+$0x10800] =	vst v2;
	v3 =	vadd.f32 v62, v5  }
0xc0: {  	v63 =	vadd.f32 v10, v7;
	[tilespmem:s1+$0x10400] =	vst v6  }
0xc1: {  	[tilespmem:s1+$0x11000] =	vst v3  }
0xc2: {  	s30 =	sadd.s32 $0x80, s30;
	s29 =	sadd.s32 $0x1, s29;
	[tilespmem:s1+$0x10C00] =	vst v63  }
.Ltmp7:
0xc3: {  	(pc) =	sbr.rel @p0 .LBB2_14-.Ltmp7, $1  }
0xc4: {  	_ =	sdelay $0x3  }
.Ltmp8:
0xc5: {  	(pc) =	sbr.rel .LBB2_4-.Ltmp8, $4  }
0xc6: {  	_ = 	snop  }
0xc7: {  	s0 =	sshll.u32 s28, $0x7  }
0xc8: {  	s25 =	sadd.s32 $0x1, s25;
	s26 =	sadd.s32 $0x40, s26;
	s0 =	sadd.s32 s0, s7  }
0xc9: {  	[tilespmem:s16], [sflag:$0x2] =	stream.linear.gather [hbm4b:s0+s3], $0x8000, $0x38;
	[tilespmem:$0x11400] =	vst v63  }
.LBB2_15:
0xca: {  	_ =	sfence.sel $0x180000  }
0xcb: {  	[bflag:$0x0] =	sbarrier.arrive $0xFFFF  }
0xcc: {  	_ =	strace $0x90000047  }
0xcd: {  	s0 =	stileid.u32;
	[bflag:$0x2] =	sbarrier.arrive $0xFFFF  }
0xce: {  	p0 =	sne.s32 s0, $0x0;
	s0 =	rddreg [dreg:$0x3]  }
0xcf: {  	s0 =	sadd.s32 @!p0 $0x100000, s0  }
0xd0: {  	[sflag:s0] =	ssyncadd.tile.s32 @!p0 $0x1;
	_ =	shalt  }
.Lfunc_end2:
_tile_overlayer_lowered:
.L_overlay_start_2:
0xd1: {  	(tag) =	ssettag $0x2  }
0xd2: {  	s0 =	rddreg [dreg:$0x0];
	s2 =	stileid.u32  }
0xd3: {  	s1 =	rddreg [dreg:$0x1];
	p0 =	sne.s32 s2, $0x0  }
0xd4: {  	s3 =	rddreg [dreg:$0x2];
	[bflag:$0x3] =	sbarrier.arrive $0xFFFF;
	s2 =	simm.s32 @!p0 $0x1C03  }
0xd5: {  	[timem:s3], [sflag:s2] =	dma.local @!p0 [hbm:s0], s1  }
0xd6: {  	s0 =	simm.s32 @!p0 $0x3  }
0xd7: {  	_ =	swait.ge @!p0 [sflag:s0], s1  }
0xd8: {  	s1 =	ssub.s32 @!p0 $0x0, s1;
	[sflag:s0] =	ssyncset.done @!p0 $0x0  }
0xd9: {  	[sflag:s0] =	ssyncadd.s32 @!p0 s1  }
0xda: {  	[bflag:$0x3] =	sbarrier.arrive $0xFFFF  }
0xdb: {  	_ =	shalt  }

</sc_bundles>
